<compile_context>
chip_gen: v7x
topology: tpu7x:2x2x1
jax: 0.10.2.dev20260603
libtpu: 0.0.44.dev20260713+nightly
codegen_flags: <defaults>
</compile_context>

<pallas_src>
import functools

import jax
import jax.numpy as jnp
from jax import lax
from jax.experimental import pallas as pl
from jax.experimental.pallas import tpu as pltpu
from jax.experimental.pallas import tpu_sc as plsc

B = 32
NC = 15
NT = 4
NE = 8
TOPK = 4
R = B * NC
LW = NT * NE
PW = 128


def _stage_a(x_ref, w1_ref, b1_ref, w2_ref, b2_ref, wg_ref, h_ref, l_ref,
             acc_ref):
    t = pl.program_id(0)
    hh = w2_ref.shape[0]

    @pl.when(t == 0)
    def _():
        acc_ref[...] = jnp.dot(x_ref[...].reshape(R, -1),
                               w1_ref[...].astype(jnp.bfloat16),
                               preferred_element_type=jnp.float32)

    @pl.when(t == 1)
    def _():
        acc_ref[...] = acc_ref[...] + jnp.dot(
            x_ref[...].reshape(R, -1), w1_ref[...].astype(jnp.bfloat16),
            preferred_element_type=jnp.float32)

    @pl.when(t == 2)
    def _():
        a = jnp.maximum(acc_ref[...] + b1_ref[...], 0.0)
        acc_ref[...] = a
        h_ref[...] = jnp.dot(a[:, :hh].astype(jnp.bfloat16),
                             w2_ref[...].astype(jnp.bfloat16),
                             preferred_element_type=jnp.float32)

    @pl.when(t == 3)
    def _():
        h = (h_ref[...] + jnp.dot(acc_ref[:, hh:].astype(jnp.bfloat16),
                                  w2_ref[...].astype(jnp.bfloat16),
                                  preferred_element_type=jnp.float32)
             + b2_ref[...])
        h_ref[...] = h
        l_ref[:, :LW] = jnp.dot(h, wg_ref[...],
                                preferred_element_type=jnp.float32)


def _stage_b(h_ref, w1_ref, b1_ref, w2_ref, b2_ref, twt_ref, s_ref):
    e = pl.program_id(0)
    a = jnp.maximum(
        jnp.dot(h_ref[...].astype(jnp.bfloat16), w1_ref[0].astype(jnp.bfloat16),
                preferred_element_type=jnp.float32)
        + b1_ref[pl.ds(e, 1), :], 0.0)
    vt = jnp.dot(w2_ref[0].astype(jnp.bfloat16), twt_ref[...].astype(jnp.bfloat16),
                 preferred_element_type=jnp.float32)
    sb = jnp.dot(b2_ref[pl.ds(e, 1), :], twt_ref[...],
                 preferred_element_type=jnp.float32)
    s_ref[0] = jnp.dot(a.astype(jnp.bfloat16), vt.astype(jnp.bfloat16),
                       preferred_element_type=jnp.float32) + sb


def _sc_route(l_hbm, gates_hbm, loss_hbm, idx_v, rows_v, gates_v, loss_v,
              scr_v, sem):
    wid = lax.axis_index("s") * 2 + lax.axis_index("c")

    @pl.when(wid < NC)
    def _():
        lane = lax.iota(jnp.int32, 16)
        idx_v[pl.ds(0, 16)] = lane * NC + wid
        idx_v[pl.ds(16, 16)] = (lane + 16) * NC + wid
        pltpu.async_copy(l_hbm.at[idx_v], rows_v, sem).wait()

        emod = lane % NE
        colbase0 = (lane // NE) * NE
        colbase1 = colbase0 + 16
        xors = (lane ^ 1, lane ^ 2, lane ^ 4)
        perm_a = (lane % NT) * NE + lane // NT
        perm_b = perm_a + NT

        def gsum(vec):
            s = vec
            for xidx in xors:
                scr_v[...] = s
                s = s + plsc.load_gather(scr_v, [xidx])
            return s

        def gmax(vec):
            s = vec
            for xidx in xors:
                scr_v[...] = s
                s = jnp.maximum(s, plsc.load_gather(scr_v, [xidx]))
            return s

        def one_half(b, colbase, half_off):
            v = rows_v[b, pl.ds(half_off, 16)]
            bsplat = jnp.full((16,), b, dtype=jnp.int32)
            rank = jnp.zeros((16,), dtype=jnp.int32)
            for j in range(NE):
                lj = plsc.load_gather(rows_v, [bsplat, colbase + j])
                gt = (lj > v) | ((lj == v) & (j < emod))
                rank = rank + gt.astype(jnp.int32)
            maskf = (rank < TOPK).astype(jnp.float32)
            ex = jnp.exp(v - gmax(v)) * maskf
            gates = ex / gsum(ex)
            return gates, maskf

        def body(b, carry):
            i0, i1, d0, d1 = carry
            g0, m0 = one_half(b, colbase0, 0)
            g1, m1 = one_half(b, colbase1, 16)
            loss_v[pl.ds(0, 16)] = g0
            loss_v[pl.ds(16, 16)] = g1
            gates_v[b, pl.ds(0, 16)] = plsc.load_gather(loss_v, [perm_a])
            gates_v[b, pl.ds(16, 16)] = plsc.load_gather(loss_v, [perm_b])
            return i0 + g0, i1 + g1, d0 + m0, d1 + m1

        z = jnp.zeros((16,), dtype=jnp.float32)
        imp0, imp1, ld0, ld1 = lax.fori_loop(0, B, body, (z, z, z, z))

        def cv2(v):
            m = gsum(v) / NE
            d = v - m
            var = gsum(d * d) / (NE - 1)
            return var / (m * m + 1e-10)

        loss_v[pl.ds(0, 16)] = cv2(imp0) + cv2(ld0)
        loss_v[pl.ds(16, 16)] = cv2(imp1) + cv2(ld1)
        pltpu.sync_copy(loss_v, loss_hbm.at[wid])
        pltpu.async_copy(gates_v, gates_hbm.at[idx_v], sem).wait()


def _sc_route_call(l_flat):
    fn = functools.partial(
        pl.kernel,
        out_type=(
            jax.ShapeDtypeStruct((R, PW), jnp.float32),
            jax.ShapeDtypeStruct((NC, PW), jnp.float32),
        ),
        mesh=plsc.VectorSubcoreMesh(core_axis_name="c", subcore_axis_name="s"),
        compiler_params=pltpu.CompilerParams(needs_layout_passes=False),
        scratch_types=[
            pltpu.VMEM((B,), jnp.int32),
            pltpu.VMEM((B, PW), jnp.float32),
            pltpu.VMEM((B, PW), jnp.float32),
            pltpu.VMEM((PW,), jnp.float32),
            pltpu.VMEM((16,), jnp.float32),
            pltpu.SemaphoreType.DMA,
        ],
    )(_sc_route)
    return fn(l_flat)


def _stage_comb(g_ref, s_ref, loss_ref, tb_ref, out_ref, aux_ref):
    score = jnp.broadcast_to(tb_ref[...], (R, NT))
    for e in range(NE):
        score = score + g_ref[:, NT * e:NT * (e + 1)] * s_ref[e]
    out_ref[...] = 1.0 / (1.0 + jnp.exp(-score))
    aux_ref[...] = jnp.reshape(
        jnp.sum(loss_ref[:, :LW]) / NE * 1e-2, (1, 1))


def kernel(x, fc1_w, fc1_b, fc2_w, fc2_b, w_gate, exp_w1, exp_b1, exp_w2,
           exp_b2, tower_w, tower_b):
    wg = w_gate.transpose(1, 0, 2).reshape(w_gate.shape[1], LW)
    kc = fc1_w.shape[0] // 2
    hh = fc2_w.shape[0] // 2
    h, l_flat = pl.pallas_call(
        _stage_a,
        grid=(4,),
        in_specs=[
            pl.BlockSpec((B, NC, kc), lambda t: (0, 0, jnp.minimum(t, 1))),
            pl.BlockSpec((kc, fc1_w.shape[1]), lambda t: (jnp.minimum(t, 1), 0)),
            pl.BlockSpec((1, fc1_b.shape[0]), lambda t: (0, 0)),
            pl.BlockSpec((hh, fc2_w.shape[1]),
                         lambda t: (jnp.clip(t - 2, 0, 1), 0)),
            pl.BlockSpec((1, fc2_b.shape[0]), lambda t: (0, 0)),
            pl.BlockSpec(wg.shape, lambda t: (0, 0)),
        ],
        out_specs=(
            pl.BlockSpec((R, fc2_w.shape[1]), lambda t: (0, 0)),
            pl.BlockSpec((R, PW), lambda t: (0, 0)),
        ),
        out_shape=(
            jax.ShapeDtypeStruct((R, fc2_w.shape[1]), jnp.float32),
            jax.ShapeDtypeStruct((R, PW), jnp.float32),
        ),
        scratch_shapes=[pltpu.VMEM((R, fc1_w.shape[1]), jnp.float32)],
    )(x.astype(jnp.bfloat16), fc1_w, fc1_b.reshape(1, -1), fc2_w,
      fc2_b.reshape(1, -1), wg)

    gates, loss = _sc_route_call(l_flat)

    twt = tower_w.T
    s_raw = pl.pallas_call(
        _stage_b,
        grid=(NE,),
        in_specs=[
            pl.BlockSpec((R, h.shape[1]), lambda e: (0, 0)),
            pl.BlockSpec((1,) + exp_w1.shape[1:], lambda e: (e, 0, 0)),
            pl.BlockSpec(exp_b1.shape, lambda e: (0, 0)),
            pl.BlockSpec((1,) + exp_w2.shape[1:], lambda e: (e, 0, 0)),
            pl.BlockSpec(exp_b2.shape, lambda e: (0, 0)),
            pl.BlockSpec(twt.shape, lambda e: (0, 0)),
        ],
        out_specs=pl.BlockSpec((1, R, NT), lambda e: (e, 0, 0)),
        out_shape=jax.ShapeDtypeStruct((NE, R, NT), jnp.float32),
    )(h, exp_w1, exp_b1, exp_w2, exp_b2, twt)

    scores, aux = pl.pallas_call(
        _stage_comb,
        out_shape=(
            jax.ShapeDtypeStruct((R, NT), jnp.float32),
            jax.ShapeDtypeStruct((1, 1), jnp.float32),
        ),
    )(gates, s_raw, loss, tower_b.reshape(1, NT))

    return scores.reshape(B, NC, NT), aux[0, 0]

# --- scband reference (transcript-rebuilt; emitter-appended) ---
"""Pipeline reference for scband-mo-eregression-14422500180226 (READ-ONLY COPY).

The authoritative reference and input builder live on the scoring server;
editing this copy changes nothing except your own understanding.
"""

import jax, jax.numpy as jnp
import numpy as np

N_TASKS = 4
NUM_EXPERTS = 8   # default 2 * n_tasks
TOP_K = 4         # default num_experts // 2
INPUT_SIZE = 2048
HIDDEN_SIZE = 1024
EXPERT_HIDDEN = 1024
BATCH = 32
N_CAND = 15


def setup_inputs(seed: int = 0):
    key = jax.random.key(seed)
    ks = jax.random.split(key, 8)
    s = 0.02
    return {
        'x': jax.random.normal(ks[0], (BATCH, N_CAND, INPUT_SIZE), dtype=jnp.float32),
        'fc1_w': jax.random.normal(ks[1], (INPUT_SIZE, HIDDEN_SIZE), dtype=jnp.float32) * s,
        'fc1_b': jnp.zeros((HIDDEN_SIZE,), dtype=jnp.float32),
        'fc2_w': jax.random.normal(ks[2], (HIDDEN_SIZE, HIDDEN_SIZE), dtype=jnp.float32) * s,
        'fc2_b': jnp.zeros((HIDDEN_SIZE,), dtype=jnp.float32),
        'w_gate': jax.random.normal(ks[3], (N_TASKS, HIDDEN_SIZE, NUM_EXPERTS), dtype=jnp.float32) * s,
        'exp_w1': jax.random.normal(ks[4], (NUM_EXPERTS, HIDDEN_SIZE, EXPERT_HIDDEN), dtype=jnp.float32) * s,
        'exp_b1': jnp.zeros((NUM_EXPERTS, EXPERT_HIDDEN), dtype=jnp.float32),
        'exp_w2': jax.random.normal(ks[5], (NUM_EXPERTS, EXPERT_HIDDEN, HIDDEN_SIZE), dtype=jnp.float32) * s,
        'exp_b2': jnp.zeros((NUM_EXPERTS, HIDDEN_SIZE), dtype=jnp.float32),
        'tower_w': jax.random.normal(ks[6], (N_TASKS, HIDDEN_SIZE), dtype=jnp.float32) * s,
        'tower_b': jnp.zeros((N_TASKS,), dtype=jnp.float32),
    }


def _cv_squared(v):
    eps = 1e-10
    return jnp.var(v, ddof=1) / (jnp.mean(v) ** 2 + eps)


def _moe(h, w_gate, exp_w1, exp_b1, exp_w2, exp_b2):
    # Expert outputs computed densely; mathematically equivalent to the
    # SparseDispatcher dispatch/combine since gates are exactly zero off top-k.
    eo = jnp.einsum('bh,ehf->ebf', h, exp_w1) + exp_b1[:, None, :]
    eo = jax.nn.relu(eo)
    eo = jnp.einsum('ebf,efh->ebh', eo, exp_w2) + exp_b2[:, None, :]
    B = h.shape[0]
    ys = []
    total_loss = jnp.asarray(0.0, dtype=jnp.float32)
    for t in range(N_TASKS):
        logits = h @ w_gate[t]  # [B, E]; eval-mode: clean logits, no noise
        top_logits, top_idx = jax.lax.top_k(logits, min(TOP_K + 1, NUM_EXPERTS))
        top_k_logits = top_logits[:, :TOP_K]
        top_k_idx = top_idx[:, :TOP_K]
        top_k_gates = jax.nn.softmax(top_k_logits, axis=1)
        gates = jnp.zeros((B, NUM_EXPERTS), dtype=h.dtype).at[
            jnp.arange(B)[:, None], top_k_idx].set(top_k_gates)
        importance = gates.sum(axis=0)
        load = jax.lax.stop_gradient((gates > 0).sum(axis=0).astype(jnp.float32))
        loss = (_cv_squared(importance) + _cv_squared(load)) * 1e-2
        y = jnp.einsum('be,ebh->bh', gates, eo)
        ys.append(y)
        total_loss = total_loss + loss
    return ys, total_loss


def reference(x, fc1_w, fc1_b, fc2_w, fc2_b, w_gate, exp_w1, exp_b1, exp_w2, exp_b2, tower_w, tower_b):
    n_candidates = x.shape[1]
    pred_scores = []
    total_aux = jnp.asarray(0.0, dtype=jnp.float32)
    for i in range(n_candidates):
        encs = x[:, i, :]
        h = jax.nn.relu(encs @ fc1_w + fc1_b) @ fc2_w + fc2_b
        ys, aux = _moe(h, w_gate, exp_w1, exp_b1, exp_w2, exp_b2)
        scores_i = []
        for t in range(N_TASKS):
            scores_i.append(jax.nn.sigmoid(ys[t] @ tower_w[t] + tower_b[t]))
        pred_scores.append(jnp.stack(scores_i, axis=1))
        total_aux = total_aux + aux
    return jnp.stack(pred_scores, axis=1), total_aux


if False:  # reference __main__ guard neutralized (emitter)
    out = reference(**setup_inputs())
    print(out[0].shape, out[1])

if __name__ == "__main__":
    import jax
    _d = setup_inputs()
    print(jax.jit(kernel)(*tuple(_d.values())))

</pallas_src>

<mosaic_0001>
#map = affine_map<(d0, d1) -> (0, 0)>
module attributes {stable_mosaic.version = 14 : i64} {
  func.func @_sc_route(%arg0: i32, %arg1: i32, %arg2: memref<480x128xf32, #tpu.memory_space<hbm>>, %arg3: memref<480x128xf32, #tpu.memory_space<hbm>>, %arg4: memref<15x128xf32, #tpu.memory_space<hbm>>, %arg5: memref<32xi32, #tpu.memory_space<vmem>>, %arg6: memref<32x128xf32, #tpu.memory_space<vmem>>, %arg7: memref<32x128xf32, #tpu.memory_space<vmem>>, %arg8: memref<128xf32, #tpu.memory_space<vmem>>, %arg9: memref<16xf32, #tpu.memory_space<vmem>>, %arg10: memref<!tpu.dma_semaphore, #tpu.memory_space<semaphore_mem>>) attributes {dimension_semantics = [#tpu.dimension_semantics<core_parallel>, #tpu.dimension_semantics<subcore_parallel>], iteration_bounds = array<i64: 2, 16>, scalar_prefetch = 0 : i64, scratch_operands = 6 : i64, tpu.core_type = #tpu.core_type<sc_vector_subcore>, window_params = [{transform_indices = #map}, {transform_indices = #map}, {transform_indices = #map}]} {
    %mul3A = arith.constant 2 : i32
    %mul3A_0 = arith.muli %arg1, %mul3A : i32
    %add3A = arith.addi %mul3A_0, %arg0 : i32
    %lt3A = arith.constant 15 : i32
    %lt3A_1 = arith.cmpi slt, %add3A, %lt3A : i32
    %convert_element_type3A = arith.extui %lt3A_1 : i1 to i32
    %cond3A = arith.constant 0 : i32
    %cond3A_2 = arith.cmpi ne, %convert_element_type3A, %cond3A : i32
    scf.if %cond3A_2 {
      %iota3A = tpu.iota {dimensions = array<i32: 0>} : vector<16xi32>
      %mul3A_3 = arith.constant 15 : i32
      %mul3A_4 = vector.broadcast %mul3A_3 : i32 to vector<16xi32>
      %mul3A_5 = arith.muli %iota3A, %mul3A_4 : vector<16xi32>
      %add3A_6 = vector.broadcast %add3A : i32 to vector<16xi32>
      %add3A_7 = arith.addi %mul3A_5, %add3A_6 : vector<16xi32>
      %swap3A = arith.constant 0 : index
      %swap3A_8 = tpu.vector_load %arg5[%swap3A] {strides = array<i32>} : memref<32xi32, #tpu.memory_space<vmem>>, vector<16xi32>,
      tpu.vector_store %arg5[%swap3A], %add3A_7 {strides = array<i32>} : memref<32xi32, #tpu.memory_space<vmem>>, vector<16xi32>,
      %add3A_9 = arith.constant 16 : i32
      %add3A_10 = vector.broadcast %add3A_9 : i32 to vector<16xi32>
      %add3A_11 = arith.addi %iota3A, %add3A_10 : vector<16xi32>
      %mul3A_12 = arith.constant 15 : i32
      %mul3A_13 = vector.broadcast %mul3A_12 : i32 to vector<16xi32>
      %mul3A_14 = arith.muli %add3A_11, %mul3A_13 : vector<16xi32>
      %add3A_15 = vector.broadcast %add3A : i32 to vector<16xi32>
      %add3A_16 = arith.addi %mul3A_14, %add3A_15 : vector<16xi32>
      %swap3A_17 = arith.constant 16 : index
      %swap3A_18 = tpu.vector_load %arg5[%swap3A_17] {strides = array<i32>} : memref<32xi32, #tpu.memory_space<vmem>>, vector<16xi32>,
      tpu.vector_store %arg5[%swap3A_17], %add3A_16 {strides = array<i32>} : memref<32xi32, #tpu.memory_space<vmem>>, vector<16xi32>,
      %dma_start3A = arith.constant 0 : i32
      %dma_start3A_19 = arith.constant 0 : i32
      %dma_start3A_20 = tpu.memref_slice %arg2[%dma_start3A, %dma_start3A_19] : memref<480x128xf32, #tpu.memory_space<hbm>> -> memref<480x128xf32, #tpu.memory_space<hbm>>
      tpu.enqueue_indirect_dma source(%dma_start3A_20 : memref<480x128xf32, #tpu.memory_space<hbm>>) target(%arg6 : memref<32x128xf32, #tpu.memory_space<vmem>>) offsets(%arg5 : memref<32xi32, #tpu.memory_space<vmem>>) semaphore(%arg10 : memref<!tpu.dma_semaphore, #tpu.memory_space<semaphore_mem>>)
      %dma_wait3A = arith.constant 0 : i32
      %dma_wait3A_21 = arith.constant 0 : i32
      %dma_wait3A_22 = tpu.memref_slice %arg2[%dma_wait3A, %dma_wait3A_21] : memref<480x128xf32, #tpu.memory_space<hbm>> -> memref<480x128xf32, #tpu.memory_space<hbm>>
      tpu.wait_indirect_dma semaphore(%arg10 : memref<!tpu.dma_semaphore, #tpu.memory_space<semaphore_mem>>) src(%dma_wait3A_22 : memref<480x128xf32, #tpu.memory_space<hbm>>) dst(%arg6 : memref<32x128xf32, #tpu.memory_space<vmem>>)
      %jit3A = arith.constant 8 : i32
      %eq3A = arith.constant 0 : i32
      %eq3A_23 = arith.cmpi eq, %jit3A, %eq3A : i32
      %jit3A_24 = arith.constant 1 : i32
      %select_n3A = arith.select %eq3A_23, %jit3A_24, %jit3A : i32
      %rem3A = vector.broadcast %select_n3A : i32 to vector<16xi32>
      %rem3A_25 = arith.remsi %iota3A, %rem3A : vector<16xi32>
      %ne3A = arith.constant 0 : i32
      %ne3A_26 = vector.broadcast %ne3A : i32 to vector<16xi32>
      %ne3A_27 = arith.cmpi ne, %rem3A_25, %ne3A_26 : vector<16xi32>
      %lt3A_28 = arith.constant 0 : i32
      %lt3A_29 = vector.broadcast %lt3A_28 : i32 to vector<16xi32>
      %lt3A_30 = arith.cmpi slt, %rem3A_25, %lt3A_29 : vector<16xi32>
      %lt3A_31 = arith.constant 0 : i32
      %lt3A_32 = arith.cmpi slt, %select_n3A, %lt3A_31 : i32
      %ne3A_33 = vector.broadcast %lt3A_32 : i1 to vector<16xi1>
      %ne3A_34 = vector.broadcast %ne3A_33 : vector<16xi1> to vector<16xi1>
      %ne3A_35 = arith.xori %lt3A_30, %ne3A_34 : vector<16xi1>
      %and3A = arith.andi %ne3A_35, %ne3A_27 : vector<16xi1>
      %add3A_36 = vector.broadcast %select_n3A : i32 to vector<16xi32>
      %add3A_37 = arith.addi %rem3A_25, %add3A_36 : vector<16xi32>
      %select_n3A_38 = arith.select %and3A, %add3A_37, %rem3A_25 : vector<16xi1>, vector<16xi32>
      %jit3A_39 = arith.constant 8 : i32
      %div3A = vector.broadcast %jit3A_39 : i32 to vector<16xi32>
      %div3A_40 = arith.divsi %iota3A, %div3A : vector<16xi32>
      %sign3A = arith.constant 0 : i32
      %sign3A_41 = vector.broadcast %sign3A : i32 to vector<16xi32>
      %sign3A_42 = arith.cmpi sgt, %iota3A, %sign3A_41 : vector<16xi32>
      %sign3A_43 = arith.extui %sign3A_42 : vector<16xi1> to vector<16xi32>
      %sign3A_44 = arith.constant 0 : i32
      %sign3A_45 = vector.broadcast %sign3A_44 : i32 to vector<16xi32>
      %sign3A_46 = arith.cmpi slt, %iota3A, %sign3A_45 : vector<16xi32>
      %sign3A_47 = arith.extui %sign3A_46 : vector<16xi1> to vector<16xi32>
      %sign3A_48 = arith.subi %sign3A_43, %sign3A_47 : vector<16xi32>
      %sign3A_49 = arith.constant 0 : i32
      %sign3A_50 = arith.cmpi sgt, %jit3A_39, %sign3A_49 : i32
      %sign3A_51 = arith.extui %sign3A_50 : i1 to i32
      %sign3A_52 = arith.constant 0 : i32
      %sign3A_53 = arith.cmpi slt, %jit3A_39, %sign3A_52 : i32
      %sign3A_54 = arith.extui %sign3A_53 : i1 to i32
      %sign3A_55 = arith.subi %sign3A_51, %sign3A_54 : i32
      %ne3A_56 = vector.broadcast %sign3A_55 : i32 to vector<16xi32>
      %ne3A_57 = arith.cmpi ne, %sign3A_48, %ne3A_56 : vector<16xi32>
      %rem3A_58 = vector.broadcast %jit3A_39 : i32 to vector<16xi32>
      %rem3A_59 = arith.remsi %iota3A, %rem3A_58 : vector<16xi32>
      %ne3A_60 = arith.constant 0 : i32
      %ne3A_61 = vector.broadcast %ne3A_60 : i32 to vector<16xi32>
      %ne3A_62 = arith.cmpi ne, %rem3A_59, %ne3A_61 : vector<16xi32>
      %and3A_63 = arith.andi %ne3A_57, %ne3A_62 : vector<16xi1>
      %sub3A = arith.constant 1 : i32
      %sub3A_64 = vector.broadcast %sub3A : i32 to vector<16xi32>
      %sub3A_65 = arith.subi %div3A_40, %sub3A_64 : vector<16xi32>
      %select_n3A_66 = arith.select %and3A_63, %sub3A_65, %div3A_40 : vector<16xi1>, vector<16xi32>
      %mul3A_67 = arith.constant 8 : i32
      %mul3A_68 = vector.broadcast %mul3A_67 : i32 to vector<16xi32>
      %mul3A_69 = arith.muli %select_n3A_66, %mul3A_68 : vector<16xi32>
      %add3A_70 = arith.constant 16 : i32
      %add3A_71 = vector.broadcast %add3A_70 : i32 to vector<16xi32>
      %add3A_72 = arith.addi %mul3A_69, %add3A_71 : vector<16xi32>
      %xor3A = arith.constant 1 : i32
      %xor3A_73 = vector.broadcast %xor3A : i32 to vector<16xi32>
      %xor3A_74 = arith.xori %iota3A, %xor3A_73 : vector<16xi32>
      %xor3A_75 = arith.constant 2 : i32
      %xor3A_76 = vector.broadcast %xor3A_75 : i32 to vector<16xi32>
      %xor3A_77 = arith.xori %iota3A, %xor3A_76 : vector<16xi32>
      %xor3A_78 = arith.constant 4 : i32
      %xor3A_79 = vector.broadcast %xor3A_78 : i32 to vector<16xi32>
      %xor3A_80 = arith.xori %iota3A, %xor3A_79 : vector<16xi32>
      %jit3A_81 = arith.constant 4 : i32
      %eq3A_82 = arith.constant 0 : i32
      %eq3A_83 = arith.cmpi eq, %jit3A_81, %eq3A_82 : i32
      %jit3A_84 = arith.constant 1 : i32
      %select_n3A_85 = arith.select %eq3A_83, %jit3A_84, %jit3A_81 : i32
      %rem3A_86 = vector.broadcast %select_n3A_85 : i32 to vector<16xi32>
      %rem3A_87 = arith.remsi %iota3A, %rem3A_86 : vector<16xi32>
      %ne3A_88 = arith.constant 0 : i32
      %ne3A_89 = vector.broadcast %ne3A_88 : i32 to vector<16xi32>
      %ne3A_90 = arith.cmpi ne, %rem3A_87, %ne3A_89 : vector<16xi32>
      %lt3A_91 = arith.constant 0 : i32
      %lt3A_92 = vector.broadcast %lt3A_91 : i32 to vector<16xi32>
      %lt3A_93 = arith.cmpi slt, %rem3A_87, %lt3A_92 : vector<16xi32>
      %lt3A_94 = arith.constant 0 : i32
      %lt3A_95 = arith.cmpi slt, %select_n3A_85, %lt3A_94 : i32
      %ne3A_96 = vector.broadcast %lt3A_95 : i1 to vector<16xi1>
      %ne3A_97 = vector.broadcast %ne3A_96 : vector<16xi1> to vector<16xi1>
      %ne3A_98 = arith.xori %lt3A_93, %ne3A_97 : vector<16xi1>
      %and3A_99 = arith.andi %ne3A_98, %ne3A_90 : vector<16xi1>
      %add3A_100 = vector.broadcast %select_n3A_85 : i32 to vector<16xi32>
      %add3A_101 = arith.addi %rem3A_87, %add3A_100 : vector<16xi32>
      %select_n3A_102 = arith.select %and3A_99, %add3A_101, %rem3A_87 : vector<16xi1>, vector<16xi32>
      %mul3A_103 = arith.constant 8 : i32
      %mul3A_104 = vector.broadcast %mul3A_103 : i32 to vector<16xi32>
      %mul3A_105 = arith.muli %select_n3A_102, %mul3A_104 : vector<16xi32>
      %jit3A_106 = arith.constant 4 : i32
      %div3A_107 = vector.broadcast %jit3A_106 : i32 to vector<16xi32>
      %div3A_108 = arith.divsi %iota3A, %div3A_107 : vector<16xi32>
      %sign3A_109 = arith.constant 0 : i32
      %sign3A_110 = vector.broadcast %sign3A_109 : i32 to vector<16xi32>
      %sign3A_111 = arith.cmpi sgt, %iota3A, %sign3A_110 : vector<16xi32>
      %sign3A_112 = arith.extui %sign3A_111 : vector<16xi1> to vector<16xi32>
      %sign3A_113 = arith.constant 0 : i32
      %sign3A_114 = vector.broadcast %sign3A_113 : i32 to vector<16xi32>
      %sign3A_115 = arith.cmpi slt, %iota3A, %sign3A_114 : vector<16xi32>
      %sign3A_116 = arith.extui %sign3A_115 : vector<16xi1> to vector<16xi32>
      %sign3A_117 = arith.subi %sign3A_112, %sign3A_116 : vector<16xi32>
      %sign3A_118 = arith.constant 0 : i32
      %sign3A_119 = arith.cmpi sgt, %jit3A_106, %sign3A_118 : i32
      %sign3A_120 = arith.extui %sign3A_119 : i1 to i32
      %sign3A_121 = arith.constant 0 : i32
      %sign3A_122 = arith.cmpi slt, %jit3A_106, %sign3A_121 : i32
      %sign3A_123 = arith.extui %sign3A_122 : i1 to i32
      %sign3A_124 = arith.subi %sign3A_120, %sign3A_123 : i32
      %ne3A_125 = vector.broadcast %sign3A_124 : i32 to vector<16xi32>
      %ne3A_126 = arith.cmpi ne, %sign3A_117, %ne3A_125 : vector<16xi32>
      %rem3A_127 = vector.broadcast %jit3A_106 : i32 to vector<16xi32>
      %rem3A_128 = arith.remsi %iota3A, %rem3A_127 : vector<16xi32>
      %ne3A_129 = arith.constant 0 : i32
      %ne3A_130 = vector.broadcast %ne3A_129 : i32 to vector<16xi32>
      %ne3A_131 = arith.cmpi ne, %rem3A_128, %ne3A_130 : vector<16xi32>
      %and3A_132 = arith.andi %ne3A_126, %ne3A_131 : vector<16xi1>
      %sub3A_133 = arith.constant 1 : i32
      %sub3A_134 = vector.broadcast %sub3A_133 : i32 to vector<16xi32>
      %sub3A_135 = arith.subi %div3A_108, %sub3A_134 : vector<16xi32>
      %select_n3A_136 = arith.select %and3A_132, %sub3A_135, %div3A_108 : vector<16xi1>, vector<16xi32>
      %add3A_137 = arith.addi %mul3A_105, %select_n3A_136 : vector<16xi32>
      %add3A_138 = arith.constant 4 : i32
      %add3A_139 = vector.broadcast %add3A_138 : i32 to vector<16xi32>
      %add3A_140 = arith.addi %add3A_137, %add3A_139 : vector<16xi32>
      %broadcast_in_dim3A = arith.constant 0.000000e+00 : f32
      %broadcast_in_dim3A_141 = vector.broadcast %broadcast_in_dim3A : f32 to vector<16xf32>
      %scan3A = arith.constant 0 : i32
      %scan3A_142 = arith.constant 32 : i32
      %scan3A_143 = arith.addi %scan3A, %scan3A_142 : i32
      %scan3A_144 = arith.constant 1 : i32
      %scan3A_145:4 = scf.for %scan3A_306 = %scan3A to %scan3A_143 step %scan3A_144 iter_args(%scan3A_307 = %broadcast_in_dim3A_141, %scan3A_308 = %broadcast_in_dim3A_141, %scan3A_309 = %broadcast_in_dim3A_141, %scan3A_310 = %broadcast_in_dim3A_141) -> (vector<16xf32>, vector<16xf32>, vector<16xf32>, vector<16xf32>)  : i32 {
        %get3A = arith.index_cast %scan3A_306 : i32 to index
        %get3A_311 = arith.constant 0 : index
        %get3A_312 = tpu.vector_load %arg6[%get3A, %get3A_311] {strides = array<i32>} : memref<32x128xf32, #tpu.memory_space<vmem>>, vector<16xf32>,
        %broadcast_in_dim3A_313 = vector.broadcast %scan3A_306 : i32 to vector<16xi32>
        %broadcast_in_dim3A_314 = arith.constant 0 : i32
        %broadcast_in_dim3A_315 = vector.broadcast %broadcast_in_dim3A_314 : i32 to vector<16xi32>
        %add3A_316 = arith.constant 0 : i32
        %add3A_317 = vector.broadcast %add3A_316 : i32 to vector<16xi32>
        %add3A_318 = arith.addi %mul3A_69, %add3A_317 : vector<16xi32>
        %gather3A_319 = tpu.vector_load_idx %arg6[%broadcast_in_dim3A_313, %add3A_318] : memref<32x128xf32, #tpu.memory_space<vmem>>[vector<16xi32>, vector<16xi32>], vector<16xf32>,
        %gt3A = arith.cmpf ogt, %gather3A_319, %get3A_312 : vector<16xf32>
        %eq3A_320 = arith.cmpf oeq, %gather3A_319, %get3A_312 : vector<16xf32>
        %gt3A_321 = arith.constant 0 : i32
        %gt3A_322 = vector.broadcast %gt3A_321 : i32 to vector<16xi32>
        %gt3A_323 = arith.cmpi sgt, %select_n3A_38, %gt3A_322 : vector<16xi32>
        %and3A_324 = arith.andi %eq3A_320, %gt3A_323 : vector<16xi1>
        %or3A = arith.ori %gt3A, %and3A_324 : vector<16xi1>
        %convert_element_type3A_325 = arith.extui %or3A : vector<16xi1> to vector<16xi32>
        %add3A_326 = arith.addi %broadcast_in_dim3A_315, %convert_element_type3A_325 : vector<16xi32>
        %add3A_327 = arith.constant 1 : i32
        %add3A_328 = vector.broadcast %add3A_327 : i32 to vector<16xi32>
        %add3A_329 = arith.addi %mul3A_69, %add3A_328 : vector<16xi32>
        %gather3A_330 = tpu.vector_load_idx %arg6[%broadcast_in_dim3A_313, %add3A_329] : memref<32x128xf32, #tpu.memory_space<vmem>>[vector<16xi32>, vector<16xi32>], vector<16xf32>,
        %gt3A_331 = arith.cmpf ogt, %gather3A_330, %get3A_312 : vector<16xf32>
        %eq3A_332 = arith.cmpf oeq, %gather3A_330, %get3A_312 : vector<16xf32>
        %gt3A_333 = arith.constant 1 : i32
        %gt3A_334 = vector.broadcast %gt3A_333 : i32 to vector<16xi32>
        %gt3A_335 = arith.cmpi sgt, %select_n3A_38, %gt3A_334 : vector<16xi32>
        %and3A_336 = arith.andi %eq3A_332, %gt3A_335 : vector<16xi1>
        %or3A_337 = arith.ori %gt3A_331, %and3A_336 : vector<16xi1>
        %convert_element_type3A_338 = arith.extui %or3A_337 : vector<16xi1> to vector<16xi32>
        %add3A_339 = arith.addi %add3A_326, %convert_element_type3A_338 : vector<16xi32>
        %add3A_340 = arith.constant 2 : i32
        %add3A_341 = vector.broadcast %add3A_340 : i32 to vector<16xi32>
        %add3A_342 = arith.addi %mul3A_69, %add3A_341 : vector<16xi32>
        %gather3A_343 = tpu.vector_load_idx %arg6[%broadcast_in_dim3A_313, %add3A_342] : memref<32x128xf32, #tpu.memory_space<vmem>>[vector<16xi32>, vector<16xi32>], vector<16xf32>,
        %gt3A_344 = arith.cmpf ogt, %gather3A_343, %get3A_312 : vector<16xf32>
        %eq3A_345 = arith.cmpf oeq, %gather3A_343, %get3A_312 : vector<16xf32>
        %gt3A_346 = arith.constant 2 : i32
        %gt3A_347 = vector.broadcast %gt3A_346 : i32 to vector<16xi32>
        %gt3A_348 = arith.cmpi sgt, %select_n3A_38, %gt3A_347 : vector<16xi32>
        %and3A_349 = arith.andi %eq3A_345, %gt3A_348 : vector<16xi1>
        %or3A_350 = arith.ori %gt3A_344, %and3A_349 : vector<16xi1>
        %convert_element_type3A_351 = arith.extui %or3A_350 : vector<16xi1> to vector<16xi32>
        %add3A_352 = arith.addi %add3A_339, %convert_element_type3A_351 : vector<16xi32>
        %add3A_353 = arith.constant 3 : i32
        %add3A_354 = vector.broadcast %add3A_353 : i32 to vector<16xi32>
        %add3A_355 = arith.addi %mul3A_69, %add3A_354 : vector<16xi32>
        %gather3A_356 = tpu.vector_load_idx %arg6[%broadcast_in_dim3A_313, %add3A_355] : memref<32x128xf32, #tpu.memory_space<vmem>>[vector<16xi32>, vector<16xi32>], vector<16xf32>,
        %gt3A_357 = arith.cmpf ogt, %gather3A_356, %get3A_312 : vector<16xf32>
        %eq3A_358 = arith.cmpf oeq, %gather3A_356, %get3A_312 : vector<16xf32>
        %gt3A_359 = arith.constant 3 : i32
        %gt3A_360 = vector.broadcast %gt3A_359 : i32 to vector<16xi32>
        %gt3A_361 = arith.cmpi sgt, %select_n3A_38, %gt3A_360 : vector<16xi32>
        %and3A_362 = arith.andi %eq3A_358, %gt3A_361 : vector<16xi1>
        %or3A_363 = arith.ori %gt3A_357, %and3A_362 : vector<16xi1>
        %convert_element_type3A_364 = arith.extui %or3A_363 : vector<16xi1> to vector<16xi32>
        %add3A_365 = arith.addi %add3A_352, %convert_element_type3A_364 : vector<16xi32>
        %add3A_366 = arith.constant 4 : i32
        %add3A_367 = vector.broadcast %add3A_366 : i32 to vector<16xi32>
        %add3A_368 = arith.addi %mul3A_69, %add3A_367 : vector<16xi32>
        %gather3A_369 = tpu.vector_load_idx %arg6[%broadcast_in_dim3A_313, %add3A_368] : memref<32x128xf32, #tpu.memory_space<vmem>>[vector<16xi32>, vector<16xi32>], vector<16xf32>,
        %gt3A_370 = arith.cmpf ogt, %gather3A_369, %get3A_312 : vector<16xf32>
        %eq3A_371 = arith.cmpf oeq, %gather3A_369, %get3A_312 : vector<16xf32>
        %gt3A_372 = arith.constant 4 : i32
        %gt3A_373 = vector.broadcast %gt3A_372 : i32 to vector<16xi32>
        %gt3A_374 = arith.cmpi sgt, %select_n3A_38, %gt3A_373 : vector<16xi32>
        %and3A_375 = arith.andi %eq3A_371, %gt3A_374 : vector<16xi1>
        %or3A_376 = arith.ori %gt3A_370, %and3A_375 : vector<16xi1>
        %convert_element_type3A_377 = arith.extui %or3A_376 : vector<16xi1> to vector<16xi32>
        %add3A_378 = arith.addi %add3A_365, %convert_element_type3A_377 : vector<16xi32>
        %add3A_379 = arith.constant 5 : i32
        %add3A_380 = vector.broadcast %add3A_379 : i32 to vector<16xi32>
        %add3A_381 = arith.addi %mul3A_69, %add3A_380 : vector<16xi32>
        %gather3A_382 = tpu.vector_load_idx %arg6[%broadcast_in_dim3A_313, %add3A_381] : memref<32x128xf32, #tpu.memory_space<vmem>>[vector<16xi32>, vector<16xi32>], vector<16xf32>,
        %gt3A_383 = arith.cmpf ogt, %gather3A_382, %get3A_312 : vector<16xf32>
        %eq3A_384 = arith.cmpf oeq, %gather3A_382, %get3A_312 : vector<16xf32>
        %gt3A_385 = arith.constant 5 : i32
        %gt3A_386 = vector.broadcast %gt3A_385 : i32 to vector<16xi32>
        %gt3A_387 = arith.cmpi sgt, %select_n3A_38, %gt3A_386 : vector<16xi32>
        %and3A_388 = arith.andi %eq3A_384, %gt3A_387 : vector<16xi1>
        %or3A_389 = arith.ori %gt3A_383, %and3A_388 : vector<16xi1>
        %convert_element_type3A_390 = arith.extui %or3A_389 : vector<16xi1> to vector<16xi32>
        %add3A_391 = arith.addi %add3A_378, %convert_element_type3A_390 : vector<16xi32>
        %add3A_392 = arith.constant 6 : i32
        %add3A_393 = vector.broadcast %add3A_392 : i32 to vector<16xi32>
        %add3A_394 = arith.addi %mul3A_69, %add3A_393 : vector<16xi32>
        %gather3A_395 = tpu.vector_load_idx %arg6[%broadcast_in_dim3A_313, %add3A_394] : memref<32x128xf32, #tpu.memory_space<vmem>>[vector<16xi32>, vector<16xi32>], vector<16xf32>,
        %gt3A_396 = arith.cmpf ogt, %gather3A_395, %get3A_312 : vector<16xf32>
        %eq3A_397 = arith.cmpf oeq, %gather3A_395, %get3A_312 : vector<16xf32>
        %gt3A_398 = arith.constant 6 : i32
        %gt3A_399 = vector.broadcast %gt3A_398 : i32 to vector<16xi32>
        %gt3A_400 = arith.cmpi sgt, %select_n3A_38, %gt3A_399 : vector<16xi32>
        %and3A_401 = arith.andi %eq3A_397, %gt3A_400 : vector<16xi1>
        %or3A_402 = arith.ori %gt3A_396, %and3A_401 : vector<16xi1>
        %convert_element_type3A_403 = arith.extui %or3A_402 : vector<16xi1> to vector<16xi32>
        %add3A_404 = arith.addi %add3A_391, %convert_element_type3A_403 : vector<16xi32>
        %add3A_405 = arith.constant 7 : i32
        %add3A_406 = vector.broadcast %add3A_405 : i32 to vector<16xi32>
        %add3A_407 = arith.addi %mul3A_69, %add3A_406 : vector<16xi32>
        %gather3A_408 = tpu.vector_load_idx %arg6[%broadcast_in_dim3A_313, %add3A_407] : memref<32x128xf32, #tpu.memory_space<vmem>>[vector<16xi32>, vector<16xi32>], vector<16xf32>,
        %gt3A_409 = arith.cmpf ogt, %gather3A_408, %get3A_312 : vector<16xf32>
        %eq3A_410 = arith.cmpf oeq, %gather3A_408, %get3A_312 : vector<16xf32>
        %gt3A_411 = arith.constant 7 : i32
        %gt3A_412 = vector.broadcast %gt3A_411 : i32 to vector<16xi32>
        %gt3A_413 = arith.cmpi sgt, %select_n3A_38, %gt3A_412 : vector<16xi32>
        %and3A_414 = arith.andi %eq3A_410, %gt3A_413 : vector<16xi1>
        %or3A_415 = arith.ori %gt3A_409, %and3A_414 : vector<16xi1>
        %convert_element_type3A_416 = arith.extui %or3A_415 : vector<16xi1> to vector<16xi32>
        %add3A_417 = arith.addi %add3A_404, %convert_element_type3A_416 : vector<16xi32>
        %lt3A_418 = arith.constant 4 : i32
        %lt3A_419 = vector.broadcast %lt3A_418 : i32 to vector<16xi32>
        %lt3A_420 = arith.cmpi slt, %add3A_417, %lt3A_419 : vector<16xi32>
        %convert_element_type3A_421 = arith.extui %lt3A_420 : vector<16xi1> to vector<16xi32>
        %convert_element_type3A_422 = arith.sitofp %convert_element_type3A_421 : vector<16xi32> to vector<16xf32>
        %swap3A_423 = arith.constant 0 : index
        %swap3A_424 = tpu.vector_load %arg9[%swap3A_423] {strides = array<i32>} : memref<16xf32, #tpu.memory_space<vmem>>, vector<16xf32>,
        tpu.vector_store %arg9[%swap3A_423], %get3A_312 {strides = array<i32>} : memref<16xf32, #tpu.memory_space<vmem>>, vector<16xf32>,
        %gather3A_425 = tpu.vector_load_idx %arg9[%xor3A_74] : memref<16xf32, #tpu.memory_space<vmem>>[vector<16xi32>], vector<16xf32>,
        %max3A = arith.maximumf %get3A_312, %gather3A_425 : vector<16xf32>
        %swap3A_426 = arith.constant 0 : index
        %swap3A_427 = tpu.vector_load %arg9[%swap3A_426] {strides = array<i32>} : memref<16xf32, #tpu.memory_space<vmem>>, vector<16xf32>,
        tpu.vector_store %arg9[%swap3A_426], %max3A {strides = array<i32>} : memref<16xf32, #tpu.memory_space<vmem>>, vector<16xf32>,
        %gather3A_428 = tpu.vector_load_idx %arg9[%xor3A_77] : memref<16xf32, #tpu.memory_space<vmem>>[vector<16xi32>], vector<16xf32>,
        %max3A_429 = arith.maximumf %max3A, %gather3A_428 : vector<16xf32>
        %swap3A_430 = arith.constant 0 : index
        %swap3A_431 = tpu.vector_load %arg9[%swap3A_430] {strides = array<i32>} : memref<16xf32, #tpu.memory_space<vmem>>, vector<16xf32>,
        tpu.vector_store %arg9[%swap3A_430], %max3A_429 {strides = array<i32>} : memref<16xf32, #tpu.memory_space<vmem>>, vector<16xf32>,
        %gather3A_432 = tpu.vector_load_idx %arg9[%xor3A_80] : memref<16xf32, #tpu.memory_space<vmem>>[vector<16xi32>], vector<16xf32>,
        %max3A_433 = arith.maximumf %max3A_429, %gather3A_432 : vector<16xf32>
        %sub3A_434 = arith.subf %get3A_312, %max3A_433 : vector<16xf32>
        %exp3A = math.exp %sub3A_434 : vector<16xf32>
        %mul3A_435 = arith.mulf %exp3A, %convert_element_type3A_422 : vector<16xf32>
        %swap3A_436 = arith.constant 0 : index
        %swap3A_437 = tpu.vector_load %arg9[%swap3A_436] {strides = array<i32>} : memref<16xf32, #tpu.memory_space<vmem>>, vector<16xf32>,
        tpu.vector_store %arg9[%swap3A_436], %mul3A_435 {strides = array<i32>} : memref<16xf32, #tpu.memory_space<vmem>>, vector<16xf32>,
        %gather3A_438 = tpu.vector_load_idx %arg9[%xor3A_74] : memref<16xf32, #tpu.memory_space<vmem>>[vector<16xi32>], vector<16xf32>,
        %add3A_439 = arith.addf %mul3A_435, %gather3A_438 : vector<16xf32>
        %swap3A_440 = arith.constant 0 : index
        %swap3A_441 = tpu.vector_load %arg9[%swap3A_440] {strides = array<i32>} : memref<16xf32, #tpu.memory_space<vmem>>, vector<16xf32>,
        tpu.vector_store %arg9[%swap3A_440], %add3A_439 {strides = array<i32>} : memref<16xf32, #tpu.memory_space<vmem>>, vector<16xf32>,
        %gather3A_442 = tpu.vector_load_idx %arg9[%xor3A_77] : memref<16xf32, #tpu.memory_space<vmem>>[vector<16xi32>], vector<16xf32>,
        %add3A_443 = arith.addf %add3A_439, %gather3A_442 : vector<16xf32>
        %swap3A_444 = arith.constant 0 : index
        %swap3A_445 = tpu.vector_load %arg9[%swap3A_444] {strides = array<i32>} : memref<16xf32, #tpu.memory_space<vmem>>, vector<16xf32>,
        tpu.vector_store %arg9[%swap3A_444], %add3A_443 {strides = array<i32>} : memref<16xf32, #tpu.memory_space<vmem>>, vector<16xf32>,
        %gather3A_446 = tpu.vector_load_idx %arg9[%xor3A_80] : memref<16xf32, #tpu.memory_space<vmem>>[vector<16xi32>], vector<16xf32>,
        %add3A_447 = arith.addf %add3A_443, %gather3A_446 : vector<16xf32>
        %div3A_448 = arith.divf %mul3A_435, %add3A_447 : vector<16xf32>
        %get3A_449 = arith.index_cast %scan3A_306 : i32 to index
        %get3A_450 = arith.constant 16 : index
        %get3A_451 = tpu.vector_load %arg6[%get3A_449, %get3A_450] {strides = array<i32>} : memref<32x128xf32, #tpu.memory_space<vmem>>, vector<16xf32>,
        %broadcast_in_dim3A_452 = vector.broadcast %scan3A_306 : i32 to vector<16xi32>
        %broadcast_in_dim3A_453 = arith.constant 0 : i32
        %broadcast_in_dim3A_454 = vector.broadcast %broadcast_in_dim3A_453 : i32 to vector<16xi32>
        %add3A_455 = arith.constant 0 : i32
        %add3A_456 = vector.broadcast %add3A_455 : i32 to vector<16xi32>
        %add3A_457 = arith.addi %add3A_72, %add3A_456 : vector<16xi32>
        %gather3A_458 = tpu.vector_load_idx %arg6[%broadcast_in_dim3A_452, %add3A_457] : memref<32x128xf32, #tpu.memory_space<vmem>>[vector<16xi32>, vector<16xi32>], vector<16xf32>,
        %gt3A_459 = arith.cmpf ogt, %gather3A_458, %get3A_451 : vector<16xf32>
        %eq3A_460 = arith.cmpf oeq, %gather3A_458, %get3A_451 : vector<16xf32>
        %gt3A_461 = arith.constant 0 : i32
        %gt3A_462 = vector.broadcast %gt3A_461 : i32 to vector<16xi32>
        %gt3A_463 = arith.cmpi sgt, %select_n3A_38, %gt3A_462 : vector<16xi32>
        %and3A_464 = arith.andi %eq3A_460, %gt3A_463 : vector<16xi1>
        %or3A_465 = arith.ori %gt3A_459, %and3A_464 : vector<16xi1>
        %convert_element_type3A_466 = arith.extui %or3A_465 : vector<16xi1> to vector<16xi32>
        %add3A_467 = arith.addi %broadcast_in_dim3A_454, %convert_element_type3A_466 : vector<16xi32>
        %add3A_468 = arith.constant 1 : i32
        %add3A_469 = vector.broadcast %add3A_468 : i32 to vector<16xi32>
        %add3A_470 = arith.addi %add3A_72, %add3A_469 : vector<16xi32>
        %gather3A_471 = tpu.vector_load_idx %arg6[%broadcast_in_dim3A_452, %add3A_470] : memref<32x128xf32, #tpu.memory_space<vmem>>[vector<16xi32>, vector<16xi32>], vector<16xf32>,
        %gt3A_472 = arith.cmpf ogt, %gather3A_471, %get3A_451 : vector<16xf32>
        %eq3A_473 = arith.cmpf oeq, %gather3A_471, %get3A_451 : vector<16xf32>
        %gt3A_474 = arith.constant 1 : i32
        %gt3A_475 = vector.broadcast %gt3A_474 : i32 to vector<16xi32>
        %gt3A_476 = arith.cmpi sgt, %select_n3A_38, %gt3A_475 : vector<16xi32>
        %and3A_477 = arith.andi %eq3A_473, %gt3A_476 : vector<16xi1>
        %or3A_478 = arith.ori %gt3A_472, %and3A_477 : vector<16xi1>
        %convert_element_type3A_479 = arith.extui %or3A_478 : vector<16xi1> to vector<16xi32>
        %add3A_480 = arith.addi %add3A_467, %convert_element_type3A_479 : vector<16xi32>
        %add3A_481 = arith.constant 2 : i32
        %add3A_482 = vector.broadcast %add3A_481 : i32 to vector<16xi32>
        %add3A_483 = arith.addi %add3A_72, %add3A_482 : vector<16xi32>
        %gather3A_484 = tpu.vector_load_idx %arg6[%broadcast_in_dim3A_452, %add3A_483] : memref<32x128xf32, #tpu.memory_space<vmem>>[vector<16xi32>, vector<16xi32>], vector<16xf32>,
        %gt3A_485 = arith.cmpf ogt, %gather3A_484, %get3A_451 : vector<16xf32>
        %eq3A_486 = arith.cmpf oeq, %gather3A_484, %get3A_451 : vector<16xf32>
        %gt3A_487 = arith.constant 2 : i32
        %gt3A_488 = vector.broadcast %gt3A_487 : i32 to vector<16xi32>
        %gt3A_489 = arith.cmpi sgt, %select_n3A_38, %gt3A_488 : vector<16xi32>
        %and3A_490 = arith.andi %eq3A_486, %gt3A_489 : vector<16xi1>
        %or3A_491 = arith.ori %gt3A_485, %and3A_490 : vector<16xi1>
        %convert_element_type3A_492 = arith.extui %or3A_491 : vector<16xi1> to vector<16xi32>
        %add3A_493 = arith.addi %add3A_480, %convert_element_type3A_492 : vector<16xi32>
        %add3A_494 = arith.constant 3 : i32
        %add3A_495 = vector.broadcast %add3A_494 : i32 to vector<16xi32>
        %add3A_496 = arith.addi %add3A_72, %add3A_495 : vector<16xi32>
        %gather3A_497 = tpu.vector_load_idx %arg6[%broadcast_in_dim3A_452, %add3A_496] : memref<32x128xf32, #tpu.memory_space<vmem>>[vector<16xi32>, vector<16xi32>], vector<16xf32>,
        %gt3A_498 = arith.cmpf ogt, %gather3A_497, %get3A_451 : vector<16xf32>
        %eq3A_499 = arith.cmpf oeq, %gather3A_497, %get3A_451 : vector<16xf32>
        %gt3A_500 = arith.constant 3 : i32
        %gt3A_501 = vector.broadcast %gt3A_500 : i32 to vector<16xi32>
        %gt3A_502 = arith.cmpi sgt, %select_n3A_38, %gt3A_501 : vector<16xi32>
        %and3A_503 = arith.andi %eq3A_499, %gt3A_502 : vector<16xi1>
        %or3A_504 = arith.ori %gt3A_498, %and3A_503 : vector<16xi1>
        %convert_element_type3A_505 = arith.extui %or3A_504 : vector<16xi1> to vector<16xi32>
        %add3A_506 = arith.addi %add3A_493, %convert_element_type3A_505 : vector<16xi32>
        %add3A_507 = arith.constant 4 : i32
        %add3A_508 = vector.broadcast %add3A_507 : i32 to vector<16xi32>
        %add3A_509 = arith.addi %add3A_72, %add3A_508 : vector<16xi32>
        %gather3A_510 = tpu.vector_load_idx %arg6[%broadcast_in_dim3A_452, %add3A_509] : memref<32x128xf32, #tpu.memory_space<vmem>>[vector<16xi32>, vector<16xi32>], vector<16xf32>,
        %gt3A_511 = arith.cmpf ogt, %gather3A_510, %get3A_451 : vector<16xf32>
        %eq3A_512 = arith.cmpf oeq, %gather3A_510, %get3A_451 : vector<16xf32>
        %gt3A_513 = arith.constant 4 : i32
        %gt3A_514 = vector.broadcast %gt3A_513 : i32 to vector<16xi32>
        %gt3A_515 = arith.cmpi sgt, %select_n3A_38, %gt3A_514 : vector<16xi32>
        %and3A_516 = arith.andi %eq3A_512, %gt3A_515 : vector<16xi1>
        %or3A_517 = arith.ori %gt3A_511, %and3A_516 : vector<16xi1>
        %convert_element_type3A_518 = arith.extui %or3A_517 : vector<16xi1> to vector<16xi32>
        %add3A_519 = arith.addi %add3A_506, %convert_element_type3A_518 : vector<16xi32>
        %add3A_520 = arith.constant 5 : i32
        %add3A_521 = vector.broadcast %add3A_520 : i32 to vector<16xi32>
        %add3A_522 = arith.addi %add3A_72, %add3A_521 : vector<16xi32>
        %gather3A_523 = tpu.vector_load_idx %arg6[%broadcast_in_dim3A_452, %add3A_522] : memref<32x128xf32, #tpu.memory_space<vmem>>[vector<16xi32>, vector<16xi32>], vector<16xf32>,
        %gt3A_524 = arith.cmpf ogt, %gather3A_523, %get3A_451 : vector<16xf32>
        %eq3A_525 = arith.cmpf oeq, %gather3A_523, %get3A_451 : vector<16xf32>
        %gt3A_526 = arith.constant 5 : i32
        %gt3A_527 = vector.broadcast %gt3A_526 : i32 to vector<16xi32>
        %gt3A_528 = arith.cmpi sgt, %select_n3A_38, %gt3A_527 : vector<16xi32>
        %and3A_529 = arith.andi %eq3A_525, %gt3A_528 : vector<16xi1>
        %or3A_530 = arith.ori %gt3A_524, %and3A_529 : vector<16xi1>
        %convert_element_type3A_531 = arith.extui %or3A_530 : vector<16xi1> to vector<16xi32>
        %add3A_532 = arith.addi %add3A_519, %convert_element_type3A_531 : vector<16xi32>
        %add3A_533 = arith.constant 6 : i32
        %add3A_534 = vector.broadcast %add3A_533 : i32 to vector<16xi32>
        %add3A_535 = arith.addi %add3A_72, %add3A_534 : vector<16xi32>
        %gather3A_536 = tpu.vector_load_idx %arg6[%broadcast_in_dim3A_452, %add3A_535] : memref<32x128xf32, #tpu.memory_space<vmem>>[vector<16xi32>, vector<16xi32>], vector<16xf32>,
        %gt3A_537 = arith.cmpf ogt, %gather3A_536, %get3A_451 : vector<16xf32>
        %eq3A_538 = arith.cmpf oeq, %gather3A_536, %get3A_451 : vector<16xf32>
        %gt3A_539 = arith.constant 6 : i32
        %gt3A_540 = vector.broadcast %gt3A_539 : i32 to vector<16xi32>
        %gt3A_541 = arith.cmpi sgt, %select_n3A_38, %gt3A_540 : vector<16xi32>
        %and3A_542 = arith.andi %eq3A_538, %gt3A_541 : vector<16xi1>
        %or3A_543 = arith.ori %gt3A_537, %and3A_542 : vector<16xi1>
        %convert_element_type3A_544 = arith.extui %or3A_543 : vector<16xi1> to vector<16xi32>
        %add3A_545 = arith.addi %add3A_532, %convert_element_type3A_544 : vector<16xi32>
        %add3A_546 = arith.constant 7 : i32
        %add3A_547 = vector.broadcast %add3A_546 : i32 to vector<16xi32>
        %add3A_548 = arith.addi %add3A_72, %add3A_547 : vector<16xi32>
        %gather3A_549 = tpu.vector_load_idx %arg6[%broadcast_in_dim3A_452, %add3A_548] : memref<32x128xf32, #tpu.memory_space<vmem>>[vector<16xi32>, vector<16xi32>], vector<16xf32>,
        %gt3A_550 = arith.cmpf ogt, %gather3A_549, %get3A_451 : vector<16xf32>
        %eq3A_551 = arith.cmpf oeq, %gather3A_549, %get3A_451 : vector<16xf32>
        %gt3A_552 = arith.constant 7 : i32
        %gt3A_553 = vector.broadcast %gt3A_552 : i32 to vector<16xi32>
        %gt3A_554 = arith.cmpi sgt, %select_n3A_38, %gt3A_553 : vector<16xi32>
        %and3A_555 = arith.andi %eq3A_551, %gt3A_554 : vector<16xi1>
        %or3A_556 = arith.ori %gt3A_550, %and3A_555 : vector<16xi1>
        %convert_element_type3A_557 = arith.extui %or3A_556 : vector<16xi1> to vector<16xi32>
        %add3A_558 = arith.addi %add3A_545, %convert_element_type3A_557 : vector<16xi32>
        %lt3A_559 = arith.constant 4 : i32
        %lt3A_560 = vector.broadcast %lt3A_559 : i32 to vector<16xi32>
        %lt3A_561 = arith.cmpi slt, %add3A_558, %lt3A_560 : vector<16xi32>
        %convert_element_type3A_562 = arith.extui %lt3A_561 : vector<16xi1> to vector<16xi32>
        %convert_element_type3A_563 = arith.sitofp %convert_element_type3A_562 : vector<16xi32> to vector<16xf32>
        %swap3A_564 = arith.constant 0 : index
        %swap3A_565 = tpu.vector_load %arg9[%swap3A_564] {strides = array<i32>} : memref<16xf32, #tpu.memory_space<vmem>>, vector<16xf32>,
        tpu.vector_store %arg9[%swap3A_564], %get3A_451 {strides = array<i32>} : memref<16xf32, #tpu.memory_space<vmem>>, vector<16xf32>,
        %gather3A_566 = tpu.vector_load_idx %arg9[%xor3A_74] : memref<16xf32, #tpu.memory_space<vmem>>[vector<16xi32>], vector<16xf32>,
        %max3A_567 = arith.maximumf %get3A_451, %gather3A_566 : vector<16xf32>
        %swap3A_568 = arith.constant 0 : index
        %swap3A_569 = tpu.vector_load %arg9[%swap3A_568] {strides = array<i32>} : memref<16xf32, #tpu.memory_space<vmem>>, vector<16xf32>,
        tpu.vector_store %arg9[%swap3A_568], %max3A_567 {strides = array<i32>} : memref<16xf32, #tpu.memory_space<vmem>>, vector<16xf32>,
        %gather3A_570 = tpu.vector_load_idx %arg9[%xor3A_77] : memref<16xf32, #tpu.memory_space<vmem>>[vector<16xi32>], vector<16xf32>,
        %max3A_571 = arith.maximumf %max3A_567, %gather3A_570 : vector<16xf32>
        %swap3A_572 = arith.constant 0 : index
        %swap3A_573 = tpu.vector_load %arg9[%swap3A_572] {strides = array<i32>} : memref<16xf32, #tpu.memory_space<vmem>>, vector<16xf32>,
        tpu.vector_store %arg9[%swap3A_572], %max3A_571 {strides = array<i32>} : memref<16xf32, #tpu.memory_space<vmem>>, vector<16xf32>,
        %gather3A_574 = tpu.vector_load_idx %arg9[%xor3A_80] : memref<16xf32, #tpu.memory_space<vmem>>[vector<16xi32>], vector<16xf32>,
        %max3A_575 = arith.maximumf %max3A_571, %gather3A_574 : vector<16xf32>
        %sub3A_576 = arith.subf %get3A_451, %max3A_575 : vector<16xf32>
        %exp3A_577 = math.exp %sub3A_576 : vector<16xf32>
        %mul3A_578 = arith.mulf %exp3A_577, %convert_element_type3A_563 : vector<16xf32>
        %swap3A_579 = arith.constant 0 : index
        %swap3A_580 = tpu.vector_load %arg9[%swap3A_579] {strides = array<i32>} : memref<16xf32, #tpu.memory_space<vmem>>, vector<16xf32>,
        tpu.vector_store %arg9[%swap3A_579], %mul3A_578 {strides = array<i32>} : memref<16xf32, #tpu.memory_space<vmem>>, vector<16xf32>,
        %gather3A_581 = tpu.vector_load_idx %arg9[%xor3A_74] : memref<16xf32, #tpu.memory_space<vmem>>[vector<16xi32>], vector<16xf32>,
        %add3A_582 = arith.addf %mul3A_578, %gather3A_581 : vector<16xf32>
        %swap3A_583 = arith.constant 0 : index
        %swap3A_584 = tpu.vector_load %arg9[%swap3A_583] {strides = array<i32>} : memref<16xf32, #tpu.memory_space<vmem>>, vector<16xf32>,
        tpu.vector_store %arg9[%swap3A_583], %add3A_582 {strides = array<i32>} : memref<16xf32, #tpu.memory_space<vmem>>, vector<16xf32>,
        %gather3A_585 = tpu.vector_load_idx %arg9[%xor3A_77] : memref<16xf32, #tpu.memory_space<vmem>>[vector<16xi32>], vector<16xf32>,
        %add3A_586 = arith.addf %add3A_582, %gather3A_585 : vector<16xf32>
        %swap3A_587 = arith.constant 0 : index
        %swap3A_588 = tpu.vector_load %arg9[%swap3A_587] {strides = array<i32>} : memref<16xf32, #tpu.memory_space<vmem>>, vector<16xf32>,
        tpu.vector_store %arg9[%swap3A_587], %add3A_586 {strides = array<i32>} : memref<16xf32, #tpu.memory_space<vmem>>, vector<16xf32>,
        %gather3A_589 = tpu.vector_load_idx %arg9[%xor3A_80] : memref<16xf32, #tpu.memory_space<vmem>>[vector<16xi32>], vector<16xf32>,
        %add3A_590 = arith.addf %add3A_586, %gather3A_589 : vector<16xf32>
        %div3A_591 = arith.divf %mul3A_578, %add3A_590 : vector<16xf32>
        %swap3A_592 = arith.constant 0 : index
        %swap3A_593 = tpu.vector_load %arg8[%swap3A_592] {strides = array<i32>} : memref<128xf32, #tpu.memory_space<vmem>>, vector<16xf32>,
        tpu.vector_store %arg8[%swap3A_592], %div3A_448 {strides = array<i32>} : memref<128xf32, #tpu.memory_space<vmem>>, vector<16xf32>,
        %swap3A_594 = arith.constant 16 : index
        %swap3A_595 = tpu.vector_load %arg8[%swap3A_594] {strides = array<i32>} : memref<128xf32, #tpu.memory_space<vmem>>, vector<16xf32>,
        tpu.vector_store %arg8[%swap3A_594], %div3A_591 {strides = array<i32>} : memref<128xf32, #tpu.memory_space<vmem>>, vector<16xf32>,
        %gather3A_596 = tpu.vector_load_idx %arg8[%add3A_137] : memref<128xf32, #tpu.memory_space<vmem>>[vector<16xi32>], vector<16xf32>,
        %swap3A_597 = arith.index_cast %scan3A_306 : i32 to index
        %swap3A_598 = arith.constant 0 : index
        %swap3A_599 = tpu.vector_load %arg7[%swap3A_597, %swap3A_598] {strides = array<i32>} : memref<32x128xf32, #tpu.memory_space<vmem>>, vector<16xf32>,
        tpu.vector_store %arg7[%swap3A_597, %swap3A_598], %gather3A_596 {strides = array<i32>} : memref<32x128xf32, #tpu.memory_space<vmem>>, vector<16xf32>,
        %gather3A_600 = tpu.vector_load_idx %arg8[%add3A_140] : memref<128xf32, #tpu.memory_space<vmem>>[vector<16xi32>], vector<16xf32>,
        %swap3A_601 = arith.index_cast %scan3A_306 : i32 to index
        %swap3A_602 = arith.constant 16 : index
        %swap3A_603 = tpu.vector_load %arg7[%swap3A_601, %swap3A_602] {strides = array<i32>} : memref<32x128xf32, #tpu.memory_space<vmem>>, vector<16xf32>,
        tpu.vector_store %arg7[%swap3A_601, %swap3A_602], %gather3A_600 {strides = array<i32>} : memref<32x128xf32, #tpu.memory_space<vmem>>, vector<16xf32>,
        %add3A_604 = arith.addf %scan3A_307, %div3A_448 : vector<16xf32>
        %add3A_605 = arith.addf %scan3A_308, %div3A_591 : vector<16xf32>
        %add3A_606 = arith.addf %scan3A_309, %convert_element_type3A_422 : vector<16xf32>
        %add3A_607 = arith.addf %scan3A_310, %convert_element_type3A_563 : vector<16xf32>
        scf.yield %add3A_604, %add3A_605, %add3A_606, %add3A_607 : vector<16xf32>, vector<16xf32>, vector<16xf32>, vector<16xf32>
      }
      %scan3A_146 = arith.constant 32 : i32
      %swap3A_147 = arith.constant 0 : index
      %swap3A_148 = tpu.vector_load %arg9[%swap3A_147] {strides = array<i32>} : memref<16xf32, #tpu.memory_space<vmem>>, vector<16xf32>,
      tpu.vector_store %arg9[%swap3A_147], %scan3A_145#0 {strides = array<i32>} : memref<16xf32, #tpu.memory_space<vmem>>, vector<16xf32>,
      %gather3A = tpu.vector_load_idx %arg9[%xor3A_74] : memref<16xf32, #tpu.memory_space<vmem>>[vector<16xi32>], vector<16xf32>,
      %add3A_149 = arith.addf %scan3A_145#0, %gather3A : vector<16xf32>
      %swap3A_150 = arith.constant 0 : index
      %swap3A_151 = tpu.vector_load %arg9[%swap3A_150] {strides = array<i32>} : memref<16xf32, #tpu.memory_space<vmem>>, vector<16xf32>,
      tpu.vector_store %arg9[%swap3A_150], %add3A_149 {strides = array<i32>} : memref<16xf32, #tpu.memory_space<vmem>>, vector<16xf32>,
      %gather3A_152 = tpu.vector_load_idx %arg9[%xor3A_77] : memref<16xf32, #tpu.memory_space<vmem>>[vector<16xi32>], vector<16xf32>,
      %add3A_153 = arith.addf %add3A_149, %gather3A_152 : vector<16xf32>
      %swap3A_154 = arith.constant 0 : index
      %swap3A_155 = tpu.vector_load %arg9[%swap3A_154] {strides = array<i32>} : memref<16xf32, #tpu.memory_space<vmem>>, vector<16xf32>,
      tpu.vector_store %arg9[%swap3A_154], %add3A_153 {strides = array<i32>} : memref<16xf32, #tpu.memory_space<vmem>>, vector<16xf32>,
      %gather3A_156 = tpu.vector_load_idx %arg9[%xor3A_80] : memref<16xf32, #tpu.memory_space<vmem>>[vector<16xi32>], vector<16xf32>,
      %add3A_157 = arith.addf %add3A_153, %gather3A_156 : vector<16xf32>
      %div3A_158 = arith.constant 8.000000e+00 : f32
      %div3A_159 = vector.broadcast %div3A_158 : f32 to vector<16xf32>
      %div3A_160 = arith.divf %add3A_157, %div3A_159 : vector<16xf32>
      %sub3A_161 = arith.subf %scan3A_145#0, %div3A_160 : vector<16xf32>
      %mul3A_162 = arith.mulf %sub3A_161, %sub3A_161 : vector<16xf32>
      %swap3A_163 = arith.constant 0 : index
      %swap3A_164 = tpu.vector_load %arg9[%swap3A_163] {strides = array<i32>} : memref<16xf32, #tpu.memory_space<vmem>>, vector<16xf32>,
      tpu.vector_store %arg9[%swap3A_163], %mul3A_162 {strides = array<i32>} : memref<16xf32, #tpu.memory_space<vmem>>, vector<16xf32>,
      %gather3A_165 = tpu.vector_load_idx %arg9[%xor3A_74] : memref<16xf32, #tpu.memory_space<vmem>>[vector<16xi32>], vector<16xf32>,
      %add3A_166 = arith.addf %mul3A_162, %gather3A_165 : vector<16xf32>
      %swap3A_167 = arith.constant 0 : index
      %swap3A_168 = tpu.vector_load %arg9[%swap3A_167] {strides = array<i32>} : memref<16xf32, #tpu.memory_space<vmem>>, vector<16xf32>,
      tpu.vector_store %arg9[%swap3A_167], %add3A_166 {strides = array<i32>} : memref<16xf32, #tpu.memory_space<vmem>>, vector<16xf32>,
      %gather3A_169 = tpu.vector_load_idx %arg9[%xor3A_77] : memref<16xf32, #tpu.memory_space<vmem>>[vector<16xi32>], vector<16xf32>,
      %add3A_170 = arith.addf %add3A_166, %gather3A_169 : vector<16xf32>
      %swap3A_171 = arith.constant 0 : index
      %swap3A_172 = tpu.vector_load %arg9[%swap3A_171] {strides = array<i32>} : memref<16xf32, #tpu.memory_space<vmem>>, vector<16xf32>,
      tpu.vector_store %arg9[%swap3A_171], %add3A_170 {strides = array<i32>} : memref<16xf32, #tpu.memory_space<vmem>>, vector<16xf32>,
      %gather3A_173 = tpu.vector_load_idx %arg9[%xor3A_80] : memref<16xf32, #tpu.memory_space<vmem>>[vector<16xi32>], vector<16xf32>,
      %add3A_174 = arith.addf %add3A_170, %gather3A_173 : vector<16xf32>
      %div3A_175 = arith.constant 7.000000e+00 : f32
      %div3A_176 = vector.broadcast %div3A_175 : f32 to vector<16xf32>
      %div3A_177 = arith.divf %add3A_174, %div3A_176 : vector<16xf32>
      %mul3A_178 = arith.mulf %div3A_160, %div3A_160 : vector<16xf32>
      %add3A_179 = arith.constant 1.000000e-10 : f32
      %add3A_180 = vector.broadcast %add3A_179 : f32 to vector<16xf32>
      %add3A_181 = arith.addf %mul3A_178, %add3A_180 : vector<16xf32>
      %div3A_182 = arith.divf %div3A_177, %add3A_181 : vector<16xf32>
      %swap3A_183 = arith.constant 0 : index
      %swap3A_184 = tpu.vector_load %arg9[%swap3A_183] {strides = array<i32>} : memref<16xf32, #tpu.memory_space<vmem>>, vector<16xf32>,
      tpu.vector_store %arg9[%swap3A_183], %scan3A_145#2 {strides = array<i32>} : memref<16xf32, #tpu.memory_space<vmem>>, vector<16xf32>,
      %gather3A_185 = tpu.vector_load_idx %arg9[%xor3A_74] : memref<16xf32, #tpu.memory_space<vmem>>[vector<16xi32>], vector<16xf32>,
      %add3A_186 = arith.addf %scan3A_145#2, %gather3A_185 : vector<16xf32>
      %swap3A_187 = arith.constant 0 : index
      %swap3A_188 = tpu.vector_load %arg9[%swap3A_187] {strides = array<i32>} : memref<16xf32, #tpu.memory_space<vmem>>, vector<16xf32>,
      tpu.vector_store %arg9[%swap3A_187], %add3A_186 {strides = array<i32>} : memref<16xf32, #tpu.memory_space<vmem>>, vector<16xf32>,
      %gather3A_189 = tpu.vector_load_idx %arg9[%xor3A_77] : memref<16xf32, #tpu.memory_space<vmem>>[vector<16xi32>], vector<16xf32>,
      %add3A_190 = arith.addf %add3A_186, %gather3A_189 : vector<16xf32>
      %swap3A_191 = arith.constant 0 : index
      %swap3A_192 = tpu.vector_load %arg9[%swap3A_191] {strides = array<i32>} : memref<16xf32, #tpu.memory_space<vmem>>, vector<16xf32>,
      tpu.vector_store %arg9[%swap3A_191], %add3A_190 {strides = array<i32>} : memref<16xf32, #tpu.memory_space<vmem>>, vector<16xf32>,
      %gather3A_193 = tpu.vector_load_idx %arg9[%xor3A_80] : memref<16xf32, #tpu.memory_space<vmem>>[vector<16xi32>], vector<16xf32>,
      %add3A_194 = arith.addf %add3A_190, %gather3A_193 : vector<16xf32>
      %div3A_195 = arith.constant 8.000000e+00 : f32
      %div3A_196 = vector.broadcast %div3A_195 : f32 to vector<16xf32>
      %div3A_197 = arith.divf %add3A_194, %div3A_196 : vector<16xf32>
      %sub3A_198 = arith.subf %scan3A_145#2, %div3A_197 : vector<16xf32>
      %mul3A_199 = arith.mulf %sub3A_198, %sub3A_198 : vector<16xf32>
      %swap3A_200 = arith.constant 0 : index
      %swap3A_201 = tpu.vector_load %arg9[%swap3A_200] {strides = array<i32>} : memref<16xf32, #tpu.memory_space<vmem>>, vector<16xf32>,
      tpu.vector_store %arg9[%swap3A_200], %mul3A_199 {strides = array<i32>} : memref<16xf32, #tpu.memory_space<vmem>>, vector<16xf32>,
      %gather3A_202 = tpu.vector_load_idx %arg9[%xor3A_74] : memref<16xf32, #tpu.memory_space<vmem>>[vector<16xi32>], vector<16xf32>,
      %add3A_203 = arith.addf %mul3A_199, %gather3A_202 : vector<16xf32>
      %swap3A_204 = arith.constant 0 : index
      %swap3A_205 = tpu.vector_load %arg9[%swap3A_204] {strides = array<i32>} : memref<16xf32, #tpu.memory_space<vmem>>, vector<16xf32>,
      tpu.vector_store %arg9[%swap3A_204], %add3A_203 {strides = array<i32>} : memref<16xf32, #tpu.memory_space<vmem>>, vector<16xf32>,
      %gather3A_206 = tpu.vector_load_idx %arg9[%xor3A_77] : memref<16xf32, #tpu.memory_space<vmem>>[vector<16xi32>], vector<16xf32>,
      %add3A_207 = arith.addf %add3A_203, %gather3A_206 : vector<16xf32>
      %swap3A_208 = arith.constant 0 : index
      %swap3A_209 = tpu.vector_load %arg9[%swap3A_208] {strides = array<i32>} : memref<16xf32, #tpu.memory_space<vmem>>, vector<16xf32>,
      tpu.vector_store %arg9[%swap3A_208], %add3A_207 {strides = array<i32>} : memref<16xf32, #tpu.memory_space<vmem>>, vector<16xf32>,
      %gather3A_210 = tpu.vector_load_idx %arg9[%xor3A_80] : memref<16xf32, #tpu.memory_space<vmem>>[vector<16xi32>], vector<16xf32>,
      %add3A_211 = arith.addf %add3A_207, %gather3A_210 : vector<16xf32>
      %div3A_212 = arith.constant 7.000000e+00 : f32
      %div3A_213 = vector.broadcast %div3A_212 : f32 to vector<16xf32>
      %div3A_214 = arith.divf %add3A_211, %div3A_213 : vector<16xf32>
      %mul3A_215 = arith.mulf %div3A_197, %div3A_197 : vector<16xf32>
      %add3A_216 = arith.constant 1.000000e-10 : f32
      %add3A_217 = vector.broadcast %add3A_216 : f32 to vector<16xf32>
      %add3A_218 = arith.addf %mul3A_215, %add3A_217 : vector<16xf32>
      %div3A_219 = arith.divf %div3A_214, %add3A_218 : vector<16xf32>
      %add3A_220 = arith.addf %div3A_182, %div3A_219 : vector<16xf32>
      %swap3A_221 = arith.constant 0 : index
      %swap3A_222 = tpu.vector_load %arg8[%swap3A_221] {strides = array<i32>} : memref<128xf32, #tpu.memory_space<vmem>>, vector<16xf32>,
      tpu.vector_store %arg8[%swap3A_221], %add3A_220 {strides = array<i32>} : memref<128xf32, #tpu.memory_space<vmem>>, vector<16xf32>,
      %swap3A_223 = arith.constant 0 : index
      %swap3A_224 = tpu.vector_load %arg9[%swap3A_223] {strides = array<i32>} : memref<16xf32, #tpu.memory_space<vmem>>, vector<16xf32>,
      tpu.vector_store %arg9[%swap3A_223], %scan3A_145#1 {strides = array<i32>} : memref<16xf32, #tpu.memory_space<vmem>>, vector<16xf32>,
      %gather3A_225 = tpu.vector_load_idx %arg9[%xor3A_74] : memref<16xf32, #tpu.memory_space<vmem>>[vector<16xi32>], vector<16xf32>,
      %add3A_226 = arith.addf %scan3A_145#1, %gather3A_225 : vector<16xf32>
      %swap3A_227 = arith.constant 0 : index
      %swap3A_228 = tpu.vector_load %arg9[%swap3A_227] {strides = array<i32>} : memref<16xf32, #tpu.memory_space<vmem>>, vector<16xf32>,
      tpu.vector_store %arg9[%swap3A_227], %add3A_226 {strides = array<i32>} : memref<16xf32, #tpu.memory_space<vmem>>, vector<16xf32>,
      %gather3A_229 = tpu.vector_load_idx %arg9[%xor3A_77] : memref<16xf32, #tpu.memory_space<vmem>>[vector<16xi32>], vector<16xf32>,
      %add3A_230 = arith.addf %add3A_226, %gather3A_229 : vector<16xf32>
      %swap3A_231 = arith.constant 0 : index
      %swap3A_232 = tpu.vector_load %arg9[%swap3A_231] {strides = array<i32>} : memref<16xf32, #tpu.memory_space<vmem>>, vector<16xf32>,
      tpu.vector_store %arg9[%swap3A_231], %add3A_230 {strides = array<i32>} : memref<16xf32, #tpu.memory_space<vmem>>, vector<16xf32>,
      %gather3A_233 = tpu.vector_load_idx %arg9[%xor3A_80] : memref<16xf32, #tpu.memory_space<vmem>>[vector<16xi32>], vector<16xf32>,
      %add3A_234 = arith.addf %add3A_230, %gather3A_233 : vector<16xf32>
      %div3A_235 = arith.constant 8.000000e+00 : f32
      %div3A_236 = vector.broadcast %div3A_235 : f32 to vector<16xf32>
      %div3A_237 = arith.divf %add3A_234, %div3A_236 : vector<16xf32>
      %sub3A_238 = arith.subf %scan3A_145#1, %div3A_237 : vector<16xf32>
      %mul3A_239 = arith.mulf %sub3A_238, %sub3A_238 : vector<16xf32>
      %swap3A_240 = arith.constant 0 : index
      %swap3A_241 = tpu.vector_load %arg9[%swap3A_240] {strides = array<i32>} : memref<16xf32, #tpu.memory_space<vmem>>, vector<16xf32>,
      tpu.vector_store %arg9[%swap3A_240], %mul3A_239 {strides = array<i32>} : memref<16xf32, #tpu.memory_space<vmem>>, vector<16xf32>,
      %gather3A_242 = tpu.vector_load_idx %arg9[%xor3A_74] : memref<16xf32, #tpu.memory_space<vmem>>[vector<16xi32>], vector<16xf32>,
      %add3A_243 = arith.addf %mul3A_239, %gather3A_242 : vector<16xf32>
      %swap3A_244 = arith.constant 0 : index
      %swap3A_245 = tpu.vector_load %arg9[%swap3A_244] {strides = array<i32>} : memref<16xf32, #tpu.memory_space<vmem>>, vector<16xf32>,
      tpu.vector_store %arg9[%swap3A_244], %add3A_243 {strides = array<i32>} : memref<16xf32, #tpu.memory_space<vmem>>, vector<16xf32>,
      %gather3A_246 = tpu.vector_load_idx %arg9[%xor3A_77] : memref<16xf32, #tpu.memory_space<vmem>>[vector<16xi32>], vector<16xf32>,
      %add3A_247 = arith.addf %add3A_243, %gather3A_246 : vector<16xf32>
      %swap3A_248 = arith.constant 0 : index
      %swap3A_249 = tpu.vector_load %arg9[%swap3A_248] {strides = array<i32>} : memref<16xf32, #tpu.memory_space<vmem>>, vector<16xf32>,
      tpu.vector_store %arg9[%swap3A_248], %add3A_247 {strides = array<i32>} : memref<16xf32, #tpu.memory_space<vmem>>, vector<16xf32>,
      %gather3A_250 = tpu.vector_load_idx %arg9[%xor3A_80] : memref<16xf32, #tpu.memory_space<vmem>>[vector<16xi32>], vector<16xf32>,
      %add3A_251 = arith.addf %add3A_247, %gather3A_250 : vector<16xf32>
      %div3A_252 = arith.constant 7.000000e+00 : f32
      %div3A_253 = vector.broadcast %div3A_252 : f32 to vector<16xf32>
      %div3A_254 = arith.divf %add3A_251, %div3A_253 : vector<16xf32>
      %mul3A_255 = arith.mulf %div3A_237, %div3A_237 : vector<16xf32>
      %add3A_256 = arith.constant 1.000000e-10 : f32
      %add3A_257 = vector.broadcast %add3A_256 : f32 to vector<16xf32>
      %add3A_258 = arith.addf %mul3A_255, %add3A_257 : vector<16xf32>
      %div3A_259 = arith.divf %div3A_254, %add3A_258 : vector<16xf32>
      %swap3A_260 = arith.constant 0 : index
      %swap3A_261 = tpu.vector_load %arg9[%swap3A_260] {strides = array<i32>} : memref<16xf32, #tpu.memory_space<vmem>>, vector<16xf32>,
      tpu.vector_store %arg9[%swap3A_260], %scan3A_145#3 {strides = array<i32>} : memref<16xf32, #tpu.memory_space<vmem>>, vector<16xf32>,
      %gather3A_262 = tpu.vector_load_idx %arg9[%xor3A_74] : memref<16xf32, #tpu.memory_space<vmem>>[vector<16xi32>], vector<16xf32>,
      %add3A_263 = arith.addf %scan3A_145#3, %gather3A_262 : vector<16xf32>
      %swap3A_264 = arith.constant 0 : index
      %swap3A_265 = tpu.vector_load %arg9[%swap3A_264] {strides = array<i32>} : memref<16xf32, #tpu.memory_space<vmem>>, vector<16xf32>,
      tpu.vector_store %arg9[%swap3A_264], %add3A_263 {strides = array<i32>} : memref<16xf32, #tpu.memory_space<vmem>>, vector<16xf32>,
      %gather3A_266 = tpu.vector_load_idx %arg9[%xor3A_77] : memref<16xf32, #tpu.memory_space<vmem>>[vector<16xi32>], vector<16xf32>,
      %add3A_267 = arith.addf %add3A_263, %gather3A_266 : vector<16xf32>
      %swap3A_268 = arith.constant 0 : index
      %swap3A_269 = tpu.vector_load %arg9[%swap3A_268] {strides = array<i32>} : memref<16xf32, #tpu.memory_space<vmem>>, vector<16xf32>,
      tpu.vector_store %arg9[%swap3A_268], %add3A_267 {strides = array<i32>} : memref<16xf32, #tpu.memory_space<vmem>>, vector<16xf32>,
      %gather3A_270 = tpu.vector_load_idx %arg9[%xor3A_80] : memref<16xf32, #tpu.memory_space<vmem>>[vector<16xi32>], vector<16xf32>,
      %add3A_271 = arith.addf %add3A_267, %gather3A_270 : vector<16xf32>
      %div3A_272 = arith.constant 8.000000e+00 : f32
      %div3A_273 = vector.broadcast %div3A_272 : f32 to vector<16xf32>
      %div3A_274 = arith.divf %add3A_271, %div3A_273 : vector<16xf32>
      %sub3A_275 = arith.subf %scan3A_145#3, %div3A_274 : vector<16xf32>
      %mul3A_276 = arith.mulf %sub3A_275, %sub3A_275 : vector<16xf32>
      %swap3A_277 = arith.constant 0 : index
      %swap3A_278 = tpu.vector_load %arg9[%swap3A_277] {strides = array<i32>} : memref<16xf32, #tpu.memory_space<vmem>>, vector<16xf32>,
      tpu.vector_store %arg9[%swap3A_277], %mul3A_276 {strides = array<i32>} : memref<16xf32, #tpu.memory_space<vmem>>, vector<16xf32>,
      %gather3A_279 = tpu.vector_load_idx %arg9[%xor3A_74] : memref<16xf32, #tpu.memory_space<vmem>>[vector<16xi32>], vector<16xf32>,
      %add3A_280 = arith.addf %mul3A_276, %gather3A_279 : vector<16xf32>
      %swap3A_281 = arith.constant 0 : index
      %swap3A_282 = tpu.vector_load %arg9[%swap3A_281] {strides = array<i32>} : memref<16xf32, #tpu.memory_space<vmem>>, vector<16xf32>,
      tpu.vector_store %arg9[%swap3A_281], %add3A_280 {strides = array<i32>} : memref<16xf32, #tpu.memory_space<vmem>>, vector<16xf32>,
      %gather3A_283 = tpu.vector_load_idx %arg9[%xor3A_77] : memref<16xf32, #tpu.memory_space<vmem>>[vector<16xi32>], vector<16xf32>,
      %add3A_284 = arith.addf %add3A_280, %gather3A_283 : vector<16xf32>
      %swap3A_285 = arith.constant 0 : index
      %swap3A_286 = tpu.vector_load %arg9[%swap3A_285] {strides = array<i32>} : memref<16xf32, #tpu.memory_space<vmem>>, vector<16xf32>,
      tpu.vector_store %arg9[%swap3A_285], %add3A_284 {strides = array<i32>} : memref<16xf32, #tpu.memory_space<vmem>>, vector<16xf32>,
      %gather3A_287 = tpu.vector_load_idx %arg9[%xor3A_80] : memref<16xf32, #tpu.memory_space<vmem>>[vector<16xi32>], vector<16xf32>,
      %add3A_288 = arith.addf %add3A_284, %gather3A_287 : vector<16xf32>
      %div3A_289 = arith.constant 7.000000e+00 : f32
      %div3A_290 = vector.broadcast %div3A_289 : f32 to vector<16xf32>
      %div3A_291 = arith.divf %add3A_288, %div3A_290 : vector<16xf32>
      %mul3A_292 = arith.mulf %div3A_274, %div3A_274 : vector<16xf32>
      %add3A_293 = arith.constant 1.000000e-10 : f32
      %add3A_294 = vector.broadcast %add3A_293 : f32 to vector<16xf32>
      %add3A_295 = arith.addf %mul3A_292, %add3A_294 : vector<16xf32>
      %div3A_296 = arith.divf %div3A_291, %add3A_295 : vector<16xf32>
      %add3A_297 = arith.addf %div3A_259, %div3A_296 : vector<16xf32>
      %swap3A_298 = arith.constant 16 : index
      %swap3A_299 = tpu.vector_load %arg8[%swap3A_298] {strides = array<i32>} : memref<128xf32, #tpu.memory_space<vmem>>, vector<16xf32>,
      tpu.vector_store %arg8[%swap3A_298], %add3A_297 {strides = array<i32>} : memref<128xf32, #tpu.memory_space<vmem>>, vector<16xf32>,
      "tpu.region"() ({
        %run_scoped3A = tpu.sem_alloc : memref<!tpu.dma_semaphore, #tpu.memory_space<semaphore_mem>>
        %dma_start3A_306 = arith.constant 0 : i32
        %dma_start3A_307 = tpu.memref_slice %arg4[%add3A, %dma_start3A_306] : memref<15x128xf32, #tpu.memory_space<hbm>> -> memref<1x128xf32, #tpu.memory_space<hbm>>
        %dma_start3A_308 = tpu.memref_squeeze %dma_start3A_307 : memref<1x128xf32, #tpu.memory_space<hbm>> -> memref<128xf32, #tpu.memory_space<hbm>>
        %dma_start3A_309 = arith.constant 0 : i32
        %dma_start3A_310 = tpu.memref_slice %arg4[%add3A, %dma_start3A_309] : memref<15x128xf32, #tpu.memory_space<hbm>> -> memref<1x128xf32, #tpu.memory_space<hbm>>
        %dma_start3A_311 = tpu.memref_squeeze %dma_start3A_310 : memref<1x128xf32, #tpu.memory_space<hbm>> -> memref<128xf32, #tpu.memory_space<hbm>>
        tpu.enqueue_dma source(%arg8 : memref<128xf32, #tpu.memory_space<vmem>>) target(%dma_start3A_311 : memref<128xf32, #tpu.memory_space<hbm>>) target_semaphore(%run_scoped3A : memref<!tpu.dma_semaphore, #tpu.memory_space<semaphore_mem>>)
        %dma_wait3A_312 = arith.constant 0 : i32
        %dma_wait3A_313 = tpu.memref_slice %arg4[%add3A, %dma_wait3A_312] : memref<15x128xf32, #tpu.memory_space<hbm>> -> memref<1x128xf32, #tpu.memory_space<hbm>>
        %dma_wait3A_314 = tpu.memref_squeeze %dma_wait3A_313 : memref<1x128xf32, #tpu.memory_space<hbm>> -> memref<128xf32, #tpu.memory_space<hbm>>
        %dma_wait3A_315 = arith.constant 0 : i32
        %dma_wait3A_316 = tpu.memref_slice %arg4[%add3A, %dma_wait3A_315] : memref<15x128xf32, #tpu.memory_space<hbm>> -> memref<1x128xf32, #tpu.memory_space<hbm>>
        %dma_wait3A_317 = tpu.memref_squeeze %dma_wait3A_316 : memref<1x128xf32, #tpu.memory_space<hbm>> -> memref<128xf32, #tpu.memory_space<hbm>>
        tpu.wait_dma2 semaphore(%run_scoped3A : memref<!tpu.dma_semaphore, #tpu.memory_space<semaphore_mem>>) src(%arg8 : memref<128xf32, #tpu.memory_space<vmem>>) dst(%dma_wait3A_317 : memref<128xf32, #tpu.memory_space<hbm>>)
        tpu.yield
      }) : () -> ()
      %dma_start3A_300 = arith.constant 0 : i32
      %dma_start3A_301 = arith.constant 0 : i32
      %dma_start3A_302 = tpu.memref_slice %arg3[%dma_start3A_300, %dma_start3A_301] : memref<480x128xf32, #tpu.memory_space<hbm>> -> memref<480x128xf32, #tpu.memory_space<hbm>>
      tpu.enqueue_indirect_dma source(%arg7 : memref<32x128xf32, #tpu.memory_space<vmem>>) target(%dma_start3A_302 : memref<480x128xf32, #tpu.memory_space<hbm>>) offsets(%arg5 : memref<32xi32, #tpu.memory_space<vmem>>) semaphore(%arg10 : memref<!tpu.dma_semaphore, #tpu.memory_space<semaphore_mem>>)
      %dma_wait3A_303 = arith.constant 0 : i32
      %dma_wait3A_304 = arith.constant 0 : i32
      %dma_wait3A_305 = tpu.memref_slice %arg3[%dma_wait3A_303, %dma_wait3A_304] : memref<480x128xf32, #tpu.memory_space<hbm>> -> memref<480x128xf32, #tpu.memory_space<hbm>>
      tpu.wait_indirect_dma semaphore(%arg10 : memref<!tpu.dma_semaphore, #tpu.memory_space<semaphore_mem>>) src(%arg7 : memref<32x128xf32, #tpu.memory_space<vmem>>) dst(%dma_wait3A_305 : memref<480x128xf32, #tpu.memory_space<hbm>>)
    } else {
    }
    return
  }
}

module attributes {stable_mosaic.version = 14 : i64} {
  func.func @_stage_a(%arg0: i32, %arg1: memref<32x15x1024xbf16, #tpu.memory_space<vmem>>, %arg2: memref<1024x1024xf32, #tpu.memory_space<vmem>>, %arg3: memref<1x1024xf32, #tpu.memory_space<vmem>>, %arg4: memref<512x1024xf32, #tpu.memory_space<vmem>>, %arg5: memref<1x1024xf32, #tpu.memory_space<vmem>>, %arg6: memref<1024x32xf32, #tpu.memory_space<vmem>>, %arg7: memref<480x1024xf32, #tpu.memory_space<vmem>>, %arg8: memref<480x128xf32, #tpu.memory_space<vmem>>, %arg9: memref<480x1024xf32, #tpu.memory_space<vmem>>) attributes {dimension_semantics = [#tpu.dimension_semantics<arbitrary>], iteration_bounds = array<i64: 4>, scalar_prefetch = 0 : i64, scratch_operands = 1 : i64, tpu.core_type = #tpu.core_type<tc>, window_params = [{transform_indices = @transform_0, window_bounds = array<i64: 32, 15, 1024>}, {transform_indices = @transform_1, window_bounds = array<i64: 1024, 1024>}, {pipeline_mode = #tpu.pipeline_mode<synchronous>, transform_indices = @transform_2, window_bounds = array<i64: 1, 1024>}, {transform_indices = @transform_3, window_bounds = array<i64: 512, 1024>}, {pipeline_mode = #tpu.pipeline_mode<synchronous>, transform_indices = @transform_4, window_bounds = array<i64: 1, 1024>}, {pipeline_mode = #tpu.pipeline_mode<synchronous>, transform_indices = @transform_5, window_bounds = array<i64: 1024, 32>}, {pipeline_mode = #tpu.pipeline_mode<synchronous>, transform_indices = @transform_6, window_bounds = array<i64: 480, 1024>}, {pipeline_mode = #tpu.pipeline_mode<synchronous>, transform_indices = @transform_7, window_bounds = array<i64: 480, 128>}]} {
    %eq3A = arith.constant 0 : i32
    %eq3A_0 = arith.cmpi eq, %arg0, %eq3A : i32
    %convert_element_type3A = arith.extui %eq3A_0 : i1 to i32
    %cond3A = arith.constant 0 : i32
    %cond3A_1 = arith.cmpi ne, %convert_element_type3A, %cond3A : i32
    scf.if %cond3A_1 {
      %get3A = arith.constant 0 : index
      %get3A_17 = arith.constant 0 : index
      %get3A_18 = arith.constant 0 : index
      %get3A_19 = vector.load %arg1[%get3A, %get3A_17, %get3A_18] : memref<32x15x1024xbf16, #tpu.memory_space<vmem>>, vector<32x15x1024xbf16>
      %reshape3A = vector.shape_cast %get3A_19 : vector<32x15x1024xbf16> to vector<480x1024xbf16>
      %get3A_20 = arith.constant 0 : index
      %get3A_21 = arith.constant 0 : index
      %get3A_22 = vector.load %arg2[%get3A_20, %get3A_21] : memref<1024x1024xf32, #tpu.memory_space<vmem>>, vector<1024x1024xf32>
      %convert_element_type3A_23 = arith.truncf %get3A_22 : vector<1024x1024xf32> to vector<1024x1024xbf16>
      %dot_general3A = arith.constant dense<0.000000e+00> : vector<480x1024xf32>
      %dot_general3A_24 = tpu.matmul %reshape3A, %convert_element_type3A_23, %dot_general3A {dimension_numbers = #tpu.dot_dimension_numbers<[1], [0], [0], [1], [0, 0, 1, 1], [], []>, transpose_lhs_hint = false} : vector<480x1024xbf16>, vector<1024x1024xbf16>, vector<480x1024xf32> -> vector<480x1024xf32>
      %swap3A = arith.constant 0 : index
      %swap3A_25 = arith.constant 0 : index
      %swap3A_26 = vector.load %arg9[%swap3A, %swap3A_25] : memref<480x1024xf32, #tpu.memory_space<vmem>>, vector<480x1024xf32>
      tpu.vector_store %arg9[%swap3A, %swap3A_25], %dot_general3A_24 {strides = array<i32>} : memref<480x1024xf32, #tpu.memory_space<vmem>>, vector<480x1024xf32>,
    } else {
    }
    %eq3A_2 = arith.constant 1 : i32
    %eq3A_3 = arith.cmpi eq, %arg0, %eq3A_2 : i32
    %convert_element_type3A_4 = arith.extui %eq3A_3 : i1 to i32
    %cond3A_5 = arith.constant 0 : i32
    %cond3A_6 = arith.cmpi ne, %convert_element_type3A_4, %cond3A_5 : i32
    scf.if %cond3A_6 {
      %get3A = arith.constant 0 : index
      %get3A_17 = arith.constant 0 : index
      %get3A_18 = vector.load %arg9[%get3A, %get3A_17] : memref<480x1024xf32, #tpu.memory_space<vmem>>, vector<480x1024xf32>
      %get3A_19 = arith.constant 0 : index
      %get3A_20 = arith.constant 0 : index
      %get3A_21 = arith.constant 0 : index
      %get3A_22 = vector.load %arg1[%get3A_19, %get3A_20, %get3A_21] : memref<32x15x1024xbf16, #tpu.memory_space<vmem>>, vector<32x15x1024xbf16>
      %reshape3A = vector.shape_cast %get3A_22 : vector<32x15x1024xbf16> to vector<480x1024xbf16>
      %get3A_23 = arith.constant 0 : index
      %get3A_24 = arith.constant 0 : index
      %get3A_25 = vector.load %arg2[%get3A_23, %get3A_24] : memref<1024x1024xf32, #tpu.memory_space<vmem>>, vector<1024x1024xf32>
      %convert_element_type3A_26 = arith.truncf %get3A_25 : vector<1024x1024xf32> to vector<1024x1024xbf16>
      %dot_general3A = arith.constant dense<0.000000e+00> : vector<480x1024xf32>
      %dot_general3A_27 = tpu.matmul %reshape3A, %convert_element_type3A_26, %dot_general3A {dimension_numbers = #tpu.dot_dimension_numbers<[1], [0], [0], [1], [0, 0, 1, 1], [], []>, transpose_lhs_hint = false} : vector<480x1024xbf16>, vector<1024x1024xbf16>, vector<480x1024xf32> -> vector<480x1024xf32>
      %add3A = arith.addf %get3A_18, %dot_general3A_27 : vector<480x1024xf32>
      %swap3A = arith.constant 0 : index
      %swap3A_28 = arith.constant 0 : index
      %swap3A_29 = vector.load %arg9[%swap3A, %swap3A_28] : memref<480x1024xf32, #tpu.memory_space<vmem>>, vector<480x1024xf32>
      tpu.vector_store %arg9[%swap3A, %swap3A_28], %add3A {strides = array<i32>} : memref<480x1024xf32, #tpu.memory_space<vmem>>, vector<480x1024xf32>,
    } else {
    }
    %eq3A_7 = arith.constant 2 : i32
    %eq3A_8 = arith.cmpi eq, %arg0, %eq3A_7 : i32
    %convert_element_type3A_9 = arith.extui %eq3A_8 : i1 to i32
    %cond3A_10 = arith.constant 0 : i32
    %cond3A_11 = arith.cmpi ne, %convert_element_type3A_9, %cond3A_10 : i32
    scf.if %cond3A_11 {
      %get3A = arith.constant 0 : index
      %get3A_17 = arith.constant 0 : index
      %get3A_18 = vector.load %arg9[%get3A, %get3A_17] : memref<480x1024xf32, #tpu.memory_space<vmem>>, vector<480x1024xf32>
      %get3A_19 = arith.constant 0 : index
      %get3A_20 = arith.constant 0 : index
      %get3A_21 = vector.load %arg3[%get3A_19, %get3A_20] : memref<1x1024xf32, #tpu.memory_space<vmem>>, vector<1x1024xf32>
      %add3A = vector.broadcast %get3A_21 : vector<1x1024xf32> to vector<480x1024xf32>
      %add3A_22 = arith.addf %get3A_18, %add3A : vector<480x1024xf32>
      %max3A = arith.constant 0.000000e+00 : f32
      %max3A_23 = vector.broadcast %max3A : f32 to vector<480x1024xf32>
      %max3A_24 = arith.maximumf %add3A_22, %max3A_23 : vector<480x1024xf32>
      %swap3A = arith.constant 0 : index
      %swap3A_25 = arith.constant 0 : index
      %swap3A_26 = vector.load %arg9[%swap3A, %swap3A_25] : memref<480x1024xf32, #tpu.memory_space<vmem>>, vector<480x1024xf32>
      tpu.vector_store %arg9[%swap3A, %swap3A_25], %max3A_24 {strides = array<i32>} : memref<480x1024xf32, #tpu.memory_space<vmem>>, vector<480x1024xf32>,
      %slice3A = vector.extract_strided_slice %max3A_24 {offsets = [0, 0], sizes = [480, 512], strides = [1, 1]} : vector<480x1024xf32> to vector<480x512xf32>
      %convert_element_type3A_27 = arith.truncf %slice3A : vector<480x512xf32> to vector<480x512xbf16>
      %get3A_28 = arith.constant 0 : index
      %get3A_29 = arith.constant 0 : index
      %get3A_30 = vector.load %arg4[%get3A_28, %get3A_29] : memref<512x1024xf32, #tpu.memory_space<vmem>>, vector<512x1024xf32>
      %convert_element_type3A_31 = arith.truncf %get3A_30 : vector<512x1024xf32> to vector<512x1024xbf16>
      %dot_general3A = arith.constant dense<0.000000e+00> : vector<480x1024xf32>
      %dot_general3A_32 = tpu.matmul %convert_element_type3A_27, %convert_element_type3A_31, %dot_general3A {dimension_numbers = #tpu.dot_dimension_numbers<[1], [0], [0], [1], [0, 0, 1, 1], [], []>, transpose_lhs_hint = false} : vector<480x512xbf16>, vector<512x1024xbf16>, vector<480x1024xf32> -> vector<480x1024xf32>
      %swap3A_33 = arith.constant 0 : index
      %swap3A_34 = arith.constant 0 : index
      %swap3A_35 = vector.load %arg7[%swap3A_33, %swap3A_34] : memref<480x1024xf32, #tpu.memory_space<vmem>>, vector<480x1024xf32>
      tpu.vector_store %arg7[%swap3A_33, %swap3A_34], %dot_general3A_32 {strides = array<i32>} : memref<480x1024xf32, #tpu.memory_space<vmem>>, vector<480x1024xf32>,
    } else {
    }
    %eq3A_12 = arith.constant 3 : i32
    %eq3A_13 = arith.cmpi eq, %arg0, %eq3A_12 : i32
    %convert_element_type3A_14 = arith.extui %eq3A_13 : i1 to i32
    %cond3A_15 = arith.constant 0 : i32
    %cond3A_16 = arith.cmpi ne, %convert_element_type3A_14, %cond3A_15 : i32
    scf.if %cond3A_16 {
      %get3A = arith.constant 0 : index
      %get3A_17 = arith.constant 0 : index
      %get3A_18 = vector.load %arg7[%get3A, %get3A_17] : memref<480x1024xf32, #tpu.memory_space<vmem>>, vector<480x1024xf32>
      %get3A_19 = arith.constant 0 : index
      %get3A_20 = arith.constant 512 : index
      %get3A_21 = vector.load %arg9[%get3A_19, %get3A_20] : memref<480x1024xf32, #tpu.memory_space<vmem>>, vector<480x512xf32>
      %convert_element_type3A_22 = arith.truncf %get3A_21 : vector<480x512xf32> to vector<480x512xbf16>
      %get3A_23 = arith.constant 0 : index
      %get3A_24 = arith.constant 0 : index
      %get3A_25 = vector.load %arg4[%get3A_23, %get3A_24] : memref<512x1024xf32, #tpu.memory_space<vmem>>, vector<512x1024xf32>
      %convert_element_type3A_26 = arith.truncf %get3A_25 : vector<512x1024xf32> to vector<512x1024xbf16>
      %dot_general3A = arith.constant dense<0.000000e+00> : vector<480x1024xf32>
      %dot_general3A_27 = tpu.matmul %convert_element_type3A_22, %convert_element_type3A_26, %dot_general3A {dimension_numbers = #tpu.dot_dimension_numbers<[1], [0], [0], [1], [0, 0, 1, 1], [], []>, transpose_lhs_hint = false} : vector<480x512xbf16>, vector<512x1024xbf16>, vector<480x1024xf32> -> vector<480x1024xf32>
      %add3A = arith.addf %get3A_18, %dot_general3A_27 : vector<480x1024xf32>
      %get3A_28 = arith.constant 0 : index
      %get3A_29 = arith.constant 0 : index
      %get3A_30 = vector.load %arg5[%get3A_28, %get3A_29] : memref<1x1024xf32, #tpu.memory_space<vmem>>, vector<1x1024xf32>
      %add3A_31 = vector.broadcast %get3A_30 : vector<1x1024xf32> to vector<480x1024xf32>
      %add3A_32 = arith.addf %add3A, %add3A_31 : vector<480x1024xf32>
      %swap3A = arith.constant 0 : index
      %swap3A_33 = arith.constant 0 : index
      %swap3A_34 = vector.load %arg7[%swap3A, %swap3A_33] : memref<480x1024xf32, #tpu.memory_space<vmem>>, vector<480x1024xf32>
      tpu.vector_store %arg7[%swap3A, %swap3A_33], %add3A_32 {strides = array<i32>} : memref<480x1024xf32, #tpu.memory_space<vmem>>, vector<480x1024xf32>,
      %get3A_35 = arith.constant 0 : index
      %get3A_36 = arith.constant 0 : index
      %get3A_37 = vector.load %arg6[%get3A_35, %get3A_36] : memref<1024x32xf32, #tpu.memory_space<vmem>>, vector<1024x32xf32>
      %dot_general3A_38 = arith.constant dense<0.000000e+00> : vector<480x32xf32>
      %dot_general3A_39 = tpu.matmul %add3A_32, %get3A_37, %dot_general3A_38 {dimension_numbers = #tpu.dot_dimension_numbers<[1], [0], [0], [1], [0, 0, 1, 1], [], []>, transpose_lhs_hint = false} : vector<480x1024xf32>, vector<1024x32xf32>, vector<480x32xf32> -> vector<480x32xf32>
      %swap3A_40 = arith.constant 0 : index
      %swap3A_41 = arith.constant 0 : index
      %swap3A_42 = vector.load %arg8[%swap3A_40, %swap3A_41] : memref<480x128xf32, #tpu.memory_space<vmem>>, vector<480x32xf32>
      tpu.vector_store %arg8[%swap3A_40, %swap3A_41], %dot_general3A_39 {strides = array<i32>} : memref<480x128xf32, #tpu.memory_space<vmem>>, vector<480x32xf32>,
    } else {
    }
    return
  }
  func.func @transform_0(%arg0: i32) -> (i32, i32, i32) {
    %min3A = arith.constant 1 : i32
    %min3A_0 = arith.minsi %arg0, %min3A : i32
    %c0_i32 = arith.constant 0 : i32
    %c0_i32_1 = arith.constant 0 : i32
    %c0_i32_2 = arith.constant 0 : i32
    return %c0_i32, %c0_i32_1, %min3A_0 : i32, i32, i32
  }
  func.func @transform_1(%arg0: i32) -> (i32, i32) {
    %min3A = arith.constant 1 : i32
    %min3A_0 = arith.minsi %arg0, %min3A : i32
    %c0_i32 = arith.constant 0 : i32
    %c0_i32_1 = arith.constant 0 : i32
    return %min3A_0, %c0_i32 : i32, i32
  }
  func.func @transform_2(%arg0: i32) -> (i32, i32) {
    %c0_i32 = arith.constant 0 : i32
    %c0_i32_0 = arith.constant 0 : i32
    %c0_i32_1 = arith.constant 0 : i32
    return %c0_i32, %c0_i32_0 : i32, i32
  }
  func.func @transform_3(%arg0: i32) -> (i32, i32) {
    %sub3A = arith.constant 2 : i32
    %sub3A_0 = arith.subi %arg0, %sub3A : i32
    %jit3A = arith.constant 0 : i32
    %jit3A_1 = arith.constant 1 : i32
    %max3A = arith.maxsi %jit3A, %sub3A_0 : i32
    %min3A = arith.minsi %jit3A_1, %max3A : i32
    %c0_i32 = arith.constant 0 : i32
    %c0_i32_2 = arith.constant 0 : i32
    return %min3A, %c0_i32 : i32, i32
  }
  func.func @transform_4(%arg0: i32) -> (i32, i32) {
    %c0_i32 = arith.constant 0 : i32
    %c0_i32_0 = arith.constant 0 : i32
    %c0_i32_1 = arith.constant 0 : i32
    return %c0_i32, %c0_i32_0 : i32, i32
  }
  func.func @transform_5(%arg0: i32) -> (i32, i32) {
    %c0_i32 = arith.constant 0 : i32
    %c0_i32_0 = arith.constant 0 : i32
    %c0_i32_1 = arith.constant 0 : i32
    return %c0_i32, %c0_i32_0 : i32, i32
  }
  func.func @transform_6(%arg0: i32) -> (i32, i32) {
    %c0_i32 = arith.constant 0 : i32
    %c0_i32_0 = arith.constant 0 : i32
    %c0_i32_1 = arith.constant 0 : i32
    return %c0_i32, %c0_i32_0 : i32, i32
  }
  func.func @transform_7(%arg0: i32) -> (i32, i32) {
    %c0_i32 = arith.constant 0 : i32
    %c0_i32_0 = arith.constant 0 : i32
    %c0_i32_1 = arith.constant 0 : i32
    return %c0_i32, %c0_i32_0 : i32, i32
  }
}

module attributes {stable_mosaic.version = 14 : i64} {
  func.func @_stage_b(%arg0: i32, %arg1: memref<480x1024xf32, #tpu.memory_space<vmem>>, %arg2: memref<1x1024x1024xf32, #tpu.memory_space<vmem>>, %arg3: memref<8x1024xf32, #tpu.memory_space<vmem>>, %arg4: memref<1x1024x1024xf32, #tpu.memory_space<vmem>>, %arg5: memref<8x1024xf32, #tpu.memory_space<vmem>>, %arg6: memref<1024x4xf32, #tpu.memory_space<vmem>>, %arg7: memref<1x480x4xf32, #tpu.memory_space<vmem>>) attributes {dimension_semantics = [#tpu.dimension_semantics<arbitrary>], iteration_bounds = array<i64: 8>, scalar_prefetch = 0 : i64, scratch_operands = 0 : i64, tpu.core_type = #tpu.core_type<tc>, window_params = [{pipeline_mode = #tpu.pipeline_mode<synchronous>, transform_indices = @transform_0, window_bounds = array<i64: 480, 1024>}, {transform_indices = @transform_1, window_bounds = array<i64: 1, 1024, 1024>}, {pipeline_mode = #tpu.pipeline_mode<synchronous>, transform_indices = @transform_2, window_bounds = array<i64: 8, 1024>}, {transform_indices = @transform_3, window_bounds = array<i64: 1, 1024, 1024>}, {pipeline_mode = #tpu.pipeline_mode<synchronous>, transform_indices = @transform_4, window_bounds = array<i64: 8, 1024>}, {pipeline_mode = #tpu.pipeline_mode<synchronous>, transform_indices = @transform_5, window_bounds = array<i64: 1024, 4>}, {transform_indices = @transform_6, window_bounds = array<i64: 1, 480, 4>}]} {
    %get3A = arith.constant 0 : index
    %get3A_0 = arith.constant 0 : index
    %get3A_1 = vector.load %arg1[%get3A, %get3A_0] : memref<480x1024xf32, #tpu.memory_space<vmem>>, vector<480x1024xf32>
    %convert_element_type3A = arith.truncf %get3A_1 : vector<480x1024xf32> to vector<480x1024xbf16>
    %get3A_2 = arith.constant 0 : index
    %get3A_3 = arith.constant 0 : index
    %get3A_4 = arith.constant 0 : index
    %get3A_5 = vector.load %arg2[%get3A_2, %get3A_3, %get3A_4] : memref<1x1024x1024xf32, #tpu.memory_space<vmem>>, vector<1x1024x1024xf32>
    %get3A_6 = vector.shape_cast %get3A_5 : vector<1x1024x1024xf32> to vector<1024x1024xf32>
    %convert_element_type3A_7 = arith.truncf %get3A_6 : vector<1024x1024xf32> to vector<1024x1024xbf16>
    %dot_general3A = arith.constant dense<0.000000e+00> : vector<480x1024xf32>
    %dot_general3A_8 = tpu.matmul %convert_element_type3A, %convert_element_type3A_7, %dot_general3A {dimension_numbers = #tpu.dot_dimension_numbers<[1], [0], [0], [1], [0, 0, 1, 1], [], []>, transpose_lhs_hint = false} : vector<480x1024xbf16>, vector<1024x1024xbf16>, vector<480x1024xf32> -> vector<480x1024xf32>
    %get3A_9 = arith.index_cast %arg0 : i32 to index
    %get3A_10 = arith.constant 0 : index
    %get3A_11 = vector.load %arg3[%get3A_9, %get3A_10] : memref<8x1024xf32, #tpu.memory_space<vmem>>, vector<1x1024xf32>
    %add3A = vector.broadcast %get3A_11 : vector<1x1024xf32> to vector<480x1024xf32>
    %add3A_12 = arith.addf %dot_general3A_8, %add3A : vector<480x1024xf32>
    %max3A = arith.constant 0.000000e+00 : f32
    %max3A_13 = vector.broadcast %max3A : f32 to vector<480x1024xf32>
    %max3A_14 = arith.maximumf %add3A_12, %max3A_13 : vector<480x1024xf32>
    %get3A_15 = arith.constant 0 : index
    %get3A_16 = arith.constant 0 : index
    %get3A_17 = arith.constant 0 : index
    %get3A_18 = vector.load %arg4[%get3A_15, %get3A_16, %get3A_17] : memref<1x1024x1024xf32, #tpu.memory_space<vmem>>, vector<1x1024x1024xf32>
    %get3A_19 = vector.shape_cast %get3A_18 : vector<1x1024x1024xf32> to vector<1024x1024xf32>
    %convert_element_type3A_20 = arith.truncf %get3A_19 : vector<1024x1024xf32> to vector<1024x1024xbf16>
    %get3A_21 = arith.constant 0 : index
    %get3A_22 = arith.constant 0 : index
    %get3A_23 = vector.load %arg6[%get3A_21, %get3A_22] : memref<1024x4xf32, #tpu.memory_space<vmem>>, vector<1024x4xf32>
    %convert_element_type3A_24 = arith.truncf %get3A_23 : vector<1024x4xf32> to vector<1024x4xbf16>
    %dot_general3A_25 = arith.constant dense<0.000000e+00> : vector<1024x4xf32>
    %dot_general3A_26 = tpu.matmul %convert_element_type3A_20, %convert_element_type3A_24, %dot_general3A_25 {dimension_numbers = #tpu.dot_dimension_numbers<[1], [0], [0], [1], [0, 0, 1, 1], [], []>, transpose_lhs_hint = false} : vector<1024x1024xbf16>, vector<1024x4xbf16>, vector<1024x4xf32> -> vector<1024x4xf32>
    %get3A_27 = arith.index_cast %arg0 : i32 to index
    %get3A_28 = arith.constant 0 : index
    %get3A_29 = vector.load %arg5[%get3A_27, %get3A_28] : memref<8x1024xf32, #tpu.memory_space<vmem>>, vector<1x1024xf32>
    %get3A_30 = arith.constant 0 : index
    %get3A_31 = arith.constant 0 : index
    %get3A_32 = vector.load %arg6[%get3A_30, %get3A_31] : memref<1024x4xf32, #tpu.memory_space<vmem>>, vector<1024x4xf32>
    %dot_general3A_33 = arith.constant dense<0.000000e+00> : vector<1x4xf32>
    %dot_general3A_34 = tpu.matmul %get3A_29, %get3A_32, %dot_general3A_33 {dimension_numbers = #tpu.dot_dimension_numbers<[1], [0], [0], [1], [0, 0, 1, 1], [], []>, transpose_lhs_hint = false} : vector<1x1024xf32>, vector<1024x4xf32>, vector<1x4xf32> -> vector<1x4xf32>
    %convert_element_type3A_35 = arith.truncf %max3A_14 : vector<480x1024xf32> to vector<480x1024xbf16>
    %convert_element_type3A_36 = arith.truncf %dot_general3A_26 : vector<1024x4xf32> to vector<1024x4xbf16>
    %dot_general3A_37 = arith.constant dense<0.000000e+00> : vector<480x4xf32>
    %dot_general3A_38 = tpu.matmul %convert_element_type3A_35, %convert_element_type3A_36, %dot_general3A_37 {dimension_numbers = #tpu.dot_dimension_numbers<[1], [0], [0], [1], [0, 0, 1, 1], [], []>, transpose_lhs_hint = false} : vector<480x1024xbf16>, vector<1024x4xbf16>, vector<480x4xf32> -> vector<480x4xf32>
    %add3A_39 = vector.broadcast %dot_general3A_34 : vector<1x4xf32> to vector<480x4xf32>
    %add3A_40 = arith.addf %dot_general3A_38, %add3A_39 : vector<480x4xf32>
    %swap3A = arith.constant 0 : index
    %swap3A_41 = arith.constant 0 : index
    %swap3A_42 = arith.constant 0 : index
    %swap3A_43 = vector.load %arg7[%swap3A, %swap3A_41, %swap3A_42] : memref<1x480x4xf32, #tpu.memory_space<vmem>>, vector<1x480x4xf32>
    %swap3A_44 = vector.shape_cast %swap3A_43 : vector<1x480x4xf32> to vector<480x4xf32>
    %swap3A_45 = vector.shape_cast %add3A_40 : vector<480x4xf32> to vector<1x480x4xf32>
    tpu.vector_store %arg7[%swap3A, %swap3A_41, %swap3A_42], %swap3A_45 {strides = array<i32>} : memref<1x480x4xf32, #tpu.memory_space<vmem>>, vector<1x480x4xf32>,
    return
  }
  func.func @transform_0(%arg0: i32) -> (i32, i32) {
    %c0_i32 = arith.constant 0 : i32
    %c0_i32_0 = arith.constant 0 : i32
    %c0_i32_1 = arith.constant 0 : i32
    return %c0_i32, %c0_i32_0 : i32, i32
  }
  func.func @transform_1(%arg0: i32) -> (i32, i32, i32) {
    %c0_i32 = arith.constant 0 : i32
    %c0_i32_0 = arith.constant 0 : i32
    %c0_i32_1 = arith.constant 0 : i32
    return %arg0, %c0_i32, %c0_i32_0 : i32, i32, i32
  }
  func.func @transform_2(%arg0: i32) -> (i32, i32) {
    %c0_i32 = arith.constant 0 : i32
    %c0_i32_0 = arith.constant 0 : i32
    %c0_i32_1 = arith.constant 0 : i32
    return %c0_i32, %c0_i32_0 : i32, i32
  }
  func.func @transform_3(%arg0: i32) -> (i32, i32, i32) {
    %c0_i32 = arith.constant 0 : i32
    %c0_i32_0 = arith.constant 0 : i32
    %c0_i32_1 = arith.constant 0 : i32
    return %arg0, %c0_i32, %c0_i32_0 : i32, i32, i32
  }
  func.func @transform_4(%arg0: i32) -> (i32, i32) {
    %c0_i32 = arith.constant 0 : i32
    %c0_i32_0 = arith.constant 0 : i32
    %c0_i32_1 = arith.constant 0 : i32
    return %c0_i32, %c0_i32_0 : i32, i32
  }
  func.func @transform_5(%arg0: i32) -> (i32, i32) {
    %c0_i32 = arith.constant 0 : i32
    %c0_i32_0 = arith.constant 0 : i32
    %c0_i32_1 = arith.constant 0 : i32
    return %c0_i32, %c0_i32_0 : i32, i32
  }
  func.func @transform_6(%arg0: i32) -> (i32, i32, i32) {
    %c0_i32 = arith.constant 0 : i32
    %c0_i32_0 = arith.constant 0 : i32
    %c0_i32_1 = arith.constant 0 : i32
    return %arg0, %c0_i32, %c0_i32_0 : i32, i32, i32
  }
}

module attributes {stable_mosaic.version = 14 : i64} {
  func.func @_stage_comb(%arg0: memref<480x128xf32, #tpu.memory_space<vmem>>, %arg1: memref<8x480x4xf32, #tpu.memory_space<vmem>>, %arg2: memref<15x128xf32, #tpu.memory_space<vmem>>, %arg3: memref<1x4xf32, #tpu.memory_space<vmem>>, %arg4: memref<480x4xf32, #tpu.memory_space<vmem>>, %arg5: memref<1x1xf32, #tpu.memory_space<vmem>>) attributes {dimension_semantics = [], scalar_prefetch = 0 : i64, scratch_operands = 0 : i64, tpu.core_type = #tpu.core_type<tc>} {
    %get3A = arith.constant 0 : index
    %get3A_0 = arith.constant 0 : index
    %get3A_1 = vector.load %arg3[%get3A, %get3A_0] : memref<1x4xf32, #tpu.memory_space<vmem>>, vector<1x4xf32>
    %broadcast_in_dim3A = vector.shape_cast %get3A_1 : vector<1x4xf32> to vector<1x4xf32>
    %broadcast_in_dim3A_2 = vector.broadcast %broadcast_in_dim3A : vector<1x4xf32> to vector<480x4xf32>
    %get3A_3 = arith.constant 0 : index
    %get3A_4 = arith.constant 0 : index
    %get3A_5 = vector.load %arg0[%get3A_3, %get3A_4] : memref<480x128xf32, #tpu.memory_space<vmem>>, vector<480x4xf32>
    %get3A_6 = arith.constant 0 : index
    %get3A_7 = arith.constant 0 : index
    %get3A_8 = arith.constant 0 : index
    %get3A_9 = vector.load %arg1[%get3A_6, %get3A_7, %get3A_8] : memref<8x480x4xf32, #tpu.memory_space<vmem>>, vector<1x480x4xf32>
    %get3A_10 = vector.shape_cast %get3A_9 : vector<1x480x4xf32> to vector<480x4xf32>
    %mul3A = arith.mulf %get3A_5, %get3A_10 : vector<480x4xf32>
    %add3A = arith.addf %broadcast_in_dim3A_2, %mul3A : vector<480x4xf32>
    %get3A_11 = arith.constant 0 : index
    %get3A_12 = arith.constant 4 : index
    %get3A_13 = vector.load %arg0[%get3A_11, %get3A_12] : memref<480x128xf32, #tpu.memory_space<vmem>>, vector<480x4xf32>
    %get3A_14 = arith.constant 1 : index
    %get3A_15 = arith.constant 0 : index
    %get3A_16 = arith.constant 0 : index
    %get3A_17 = vector.load %arg1[%get3A_14, %get3A_15, %get3A_16] : memref<8x480x4xf32, #tpu.memory_space<vmem>>, vector<1x480x4xf32>
    %get3A_18 = vector.shape_cast %get3A_17 : vector<1x480x4xf32> to vector<480x4xf32>
    %mul3A_19 = arith.mulf %get3A_13, %get3A_18 : vector<480x4xf32>
    %add3A_20 = arith.addf %add3A, %mul3A_19 : vector<480x4xf32>
    %get3A_21 = arith.constant 0 : index
    %get3A_22 = arith.constant 8 : index
    %get3A_23 = vector.load %arg0[%get3A_21, %get3A_22] : memref<480x128xf32, #tpu.memory_space<vmem>>, vector<480x4xf32>
    %get3A_24 = arith.constant 2 : index
    %get3A_25 = arith.constant 0 : index
    %get3A_26 = arith.constant 0 : index
    %get3A_27 = vector.load %arg1[%get3A_24, %get3A_25, %get3A_26] : memref<8x480x4xf32, #tpu.memory_space<vmem>>, vector<1x480x4xf32>
    %get3A_28 = vector.shape_cast %get3A_27 : vector<1x480x4xf32> to vector<480x4xf32>
    %mul3A_29 = arith.mulf %get3A_23, %get3A_28 : vector<480x4xf32>
    %add3A_30 = arith.addf %add3A_20, %mul3A_29 : vector<480x4xf32>
    %get3A_31 = arith.constant 0 : index
    %get3A_32 = arith.constant 12 : index
    %get3A_33 = vector.load %arg0[%get3A_31, %get3A_32] : memref<480x128xf32, #tpu.memory_space<vmem>>, vector<480x4xf32>
    %get3A_34 = arith.constant 3 : index
    %get3A_35 = arith.constant 0 : index
    %get3A_36 = arith.constant 0 : index
    %get3A_37 = vector.load %arg1[%get3A_34, %get3A_35, %get3A_36] : memref<8x480x4xf32, #tpu.memory_space<vmem>>, vector<1x480x4xf32>
    %get3A_38 = vector.shape_cast %get3A_37 : vector<1x480x4xf32> to vector<480x4xf32>
    %mul3A_39 = arith.mulf %get3A_33, %get3A_38 : vector<480x4xf32>
    %add3A_40 = arith.addf %add3A_30, %mul3A_39 : vector<480x4xf32>
    %get3A_41 = arith.constant 0 : index
    %get3A_42 = arith.constant 16 : index
    %get3A_43 = vector.load %arg0[%get3A_41, %get3A_42] : memref<480x128xf32, #tpu.memory_space<vmem>>, vector<480x4xf32>
    %get3A_44 = arith.constant 4 : index
    %get3A_45 = arith.constant 0 : index
    %get3A_46 = arith.constant 0 : index
    %get3A_47 = vector.load %arg1[%get3A_44, %get3A_45, %get3A_46] : memref<8x480x4xf32, #tpu.memory_space<vmem>>, vector<1x480x4xf32>
    %get3A_48 = vector.shape_cast %get3A_47 : vector<1x480x4xf32> to vector<480x4xf32>
    %mul3A_49 = arith.mulf %get3A_43, %get3A_48 : vector<480x4xf32>
    %add3A_50 = arith.addf %add3A_40, %mul3A_49 : vector<480x4xf32>
    %get3A_51 = arith.constant 0 : index
    %get3A_52 = arith.constant 20 : index
    %get3A_53 = vector.load %arg0[%get3A_51, %get3A_52] : memref<480x128xf32, #tpu.memory_space<vmem>>, vector<480x4xf32>
    %get3A_54 = arith.constant 5 : index
    %get3A_55 = arith.constant 0 : index
    %get3A_56 = arith.constant 0 : index
    %get3A_57 = vector.load %arg1[%get3A_54, %get3A_55, %get3A_56] : memref<8x480x4xf32, #tpu.memory_space<vmem>>, vector<1x480x4xf32>
    %get3A_58 = vector.shape_cast %get3A_57 : vector<1x480x4xf32> to vector<480x4xf32>
    %mul3A_59 = arith.mulf %get3A_53, %get3A_58 : vector<480x4xf32>
    %add3A_60 = arith.addf %add3A_50, %mul3A_59 : vector<480x4xf32>
    %get3A_61 = arith.constant 0 : index
    %get3A_62 = arith.constant 24 : index
    %get3A_63 = vector.load %arg0[%get3A_61, %get3A_62] : memref<480x128xf32, #tpu.memory_space<vmem>>, vector<480x4xf32>
    %get3A_64 = arith.constant 6 : index
    %get3A_65 = arith.constant 0 : index
    %get3A_66 = arith.constant 0 : index
    %get3A_67 = vector.load %arg1[%get3A_64, %get3A_65, %get3A_66] : memref<8x480x4xf32, #tpu.memory_space<vmem>>, vector<1x480x4xf32>
    %get3A_68 = vector.shape_cast %get3A_67 : vector<1x480x4xf32> to vector<480x4xf32>
    %mul3A_69 = arith.mulf %get3A_63, %get3A_68 : vector<480x4xf32>
    %add3A_70 = arith.addf %add3A_60, %mul3A_69 : vector<480x4xf32>
    %get3A_71 = arith.constant 0 : index
    %get3A_72 = arith.constant 28 : index
    %get3A_73 = vector.load %arg0[%get3A_71, %get3A_72] : memref<480x128xf32, #tpu.memory_space<vmem>>, vector<480x4xf32>
    %get3A_74 = arith.constant 7 : index
    %get3A_75 = arith.constant 0 : index
    %get3A_76 = arith.constant 0 : index
    %get3A_77 = vector.load %arg1[%get3A_74, %get3A_75, %get3A_76] : memref<8x480x4xf32, #tpu.memory_space<vmem>>, vector<1x480x4xf32>
    %get3A_78 = vector.shape_cast %get3A_77 : vector<1x480x4xf32> to vector<480x4xf32>
    %mul3A_79 = arith.mulf %get3A_73, %get3A_78 : vector<480x4xf32>
    %add3A_80 = arith.addf %add3A_70, %mul3A_79 : vector<480x4xf32>
    %neg3A = arith.constant 0.000000e+00 : f32
    %neg3A_81 = vector.broadcast %neg3A : f32 to vector<480x4xf32>
    %neg3A_82 = arith.subf %neg3A_81, %add3A_80 : vector<480x4xf32>
    %exp3A = math.exp %neg3A_82 : vector<480x4xf32>
    %add3A_83 = arith.constant 1.000000e+00 : f32
    %add3A_84 = vector.broadcast %add3A_83 : f32 to vector<480x4xf32>
    %add3A_85 = arith.addf %add3A_84, %exp3A : vector<480x4xf32>
    %div3A = arith.constant 1.000000e+00 : f32
    %div3A_86 = vector.broadcast %div3A : f32 to vector<480x4xf32>
    %div3A_87 = arith.divf %div3A_86, %add3A_85 : vector<480x4xf32>
    %swap3A = arith.constant 0 : index
    %swap3A_88 = arith.constant 0 : index
    %swap3A_89 = vector.load %arg4[%swap3A, %swap3A_88] : memref<480x4xf32, #tpu.memory_space<vmem>>, vector<480x4xf32>
    tpu.vector_store %arg4[%swap3A, %swap3A_88], %div3A_87 {strides = array<i32>} : memref<480x4xf32, #tpu.memory_space<vmem>>, vector<480x4xf32>,
    %get3A_90 = arith.constant 0 : index
    %get3A_91 = arith.constant 0 : index
    %get3A_92 = vector.load %arg2[%get3A_90, %get3A_91] : memref<15x128xf32, #tpu.memory_space<vmem>>, vector<15x32xf32>
    %reduce_sum3A = vector.shape_cast %get3A_92 : vector<15x32xf32> to vector<1x15x32xf32>
    %reduce_sum3A_93 = arith.constant dense<0.000000e+00> : vector<1xf32>
    %reduce_sum3A_94 = vector.multi_reduction <add>, %reduce_sum3A, %reduce_sum3A_93 [1, 2] : vector<1x15x32xf32> to vector<1xf32>
    %reduce_sum3A_95 = vector.shape_cast %reduce_sum3A_94 : vector<1xf32> to vector<1x1x1xf32>
    %reduce_sum3A_96 = vector.extract %reduce_sum3A_95[0, 0, 0] : f32 from vector<1x1x1xf32>
    %div3A_97 = arith.constant 8.000000e+00 : f32
    %div3A_98 = arith.divf %reduce_sum3A_96, %div3A_97 : f32
    %mul3A_99 = arith.constant 0.00999999977 : f32
    %mul3A_100 = arith.mulf %div3A_98, %mul3A_99 : f32
    %reshape3A = vector.broadcast %mul3A_100 : f32 to vector<1x1xf32>
    %swap3A_101 = arith.constant 0 : index
    %swap3A_102 = arith.constant 0 : index
    %swap3A_103 = vector.load %arg5[%swap3A_101, %swap3A_102] : memref<1x1xf32, #tpu.memory_space<vmem>>, vector<1x1xf32>
    tpu.vector_store %arg5[%swap3A_101, %swap3A_102], %reshape3A {strides = array<i32>} : memref<1x1xf32, #tpu.memory_space<vmem>>, vector<1x1xf32>,
    return
  }
}

</mosaic_0001>

<sc_bundles>
// kernel: kernel.6.cloned.1.call-start
scs
__scs_entry_jumppad:
0x0: {  	(pc) =	sbr.rel $0x88, $3  }
0x1: {  	(tag) =	ssettag $0x0;
	lr =	simm.s32 $0x1  }
0x2: {  	[smem:$0x3F95] =	sst lr;
	_ =	strace $0xD0000000  }
0x3: {  	_ = 	snop  }
0x4: {  	_ = 	snop  }
0x5: {  	_ = 	snop  }
0x6: {  	_ = 	snop  }
0x7: {  	_ = 	snop  }
__scs_overlays_trampoline_lowered:
0x8: {  	[smem:$0x3FA4] =	sst s0  }
0x9: {  	[smem:$0x3FA5] =	sst s1  }
0xa: {  	[smem:$0x3FA6] =	sst s2  }
0xb: {  	[smem:$0x3FA7] =	sst s3  }
0xc: {  	[smem:$0x3FA8] =	sst s4  }
0xd: {  	[smem:$0x3FA9] =	sst s5  }
0xe: {  	[smem:$0x3FAA] =	sst s6  }
0xf: {  	[smem:$0x3FAB] =	sst s7  }
0x10: {  	[smem:$0x3FAC] =	sst s8  }
0x11: {  	[smem:$0x3FAD] =	sst s9;
	s0 =	simm.s32 @!p0 $0x0  }
0x12: {  	s1 =	sld [smem:$0x3F93];
	s0 =	simm.s32 @p0 $0x1  }
0x13: {  	[smem:$0x3FAE] =	sst s0;
	s0 =	simm.s32 @!p1 $0x0  }
0x14: {  	s2 =	sld [smem:$0x3F92];
	s0 =	simm.s32 @p1 $0x1  }
0x15: {  	[smem:$0x3FAF] =	sst s0;
	s0 =	simm.s32 @!p2 $0x0  }
0x16: {  	s3 =	sld [smem:$0x3FDB];
	s0 =	simm.s32 @p2 $0x1  }
0x17: {  	s4 =	simm.s32 $0x1BF5;
	[smem:$0x3FB1] =	sst s0  }
0x18: {  	s0 =	sld [smem:$0x3F94];
	_ =	swait.ge [sflag:s4], $0x0  }
0x19: {  	s7 =	sld [smem:$0x3F95]  }
0x1a: {  	s8 =	sadd.s32 $0xFFFFE003, lr  }
0x1b: {  	s9 =	sadd.s32 $0xFFFFFEF7, lr;
	s5 =	simm.s32 $0xFFFFFFFF;
	p2 =	slt.u32 s8, $0xFFFFF086  }
0x1c: {  	p1 =	slt.u32 s9, $0xF7A;
	s5 =	simm.s32 @!p2 $0x0  }
0x1d: {  	s5 =	simm.s32 @p1 $0x1;
	p0 =	seq.s32 s7, s2  }
0x1e: {  	s7 =	smul.u32 @!p0 $0xF7A, s2;
	p2 =	seq.s32 @!p0 s5, $0x0  }
0x1f: {  	s9 =	smul.u32 $0xF7A, s1;
	s8 =	simm.s32 @!p0 $0x1BF5;
	p2 =	por !p2, p0  }
0x20: {  	[sflag:s8] =	ssyncset.s32 @!p0 $0xFFFFF086;
	s6 =	sadd.s32 @!p0 s3, s7;
	s7 =	simm.s32 @!p0 $0x108  }
0x21: {  	s3 =	sadd.s32 s3, s9;
	s6 =	sadd.s32 @!p0 $0x88, s6;
	s7 =	simm.s32 @p2 $0x1082  }
0x22: {  	[simem:s7], [sflag:s8] =	dma.local @!p0 [hbm:s6], $0xF7A  }
0x23: {  	s9 =	sor.u32 $0xD0000000, s2;
	s6 =	simm.s32 $0x108;
	_ =	swait.ge @!p0 [sflag:s8], $0x0  }
0x24: {  	s3 =	sadd.s32 $0x88, s3;
	s6 =	simm.s32 @!p1 $0x1082;
	[sflag:s4] =	ssyncset.s32 $0xFFFFF086  }
0x25: {  	[simem:s6], [sflag:s4] =	dma.local [hbm:s3], $0xF7A  }
0x26: {  	[smem:$0x3F95] =	sst s1;
	(tag) =	ssettag s2;
	_ =	strace s9  }
0x27: {  	s1 =	sld [smem:$0x3FA5]  }
0x28: {  	s2 =	sld [smem:$0x3FA6]  }
0x29: {  	s4 =	sld [smem:$0x3FA8]  }
0x2a: {  	p0 =	seq.s32 s5, $0x0;
	s5 =	sld [smem:$0x3FA9]  }
0x2b: {  	s6 =	sld [smem:$0x3FAA]  }
0x2c: {  	s7 =	sld [smem:$0x3FAB]  }
0x2d: {  	s3 =	simm.s32 $0x108;
	s8 =	sld [smem:$0x3FAC]  }
0x2e: {  	s3 =	simm.s32 @!p0 $0x1082;
	s9 =	sld [smem:$0x3FAD]  }
0x2f: {  	lr =	sadd.s32 s0, s3;
	s0 =	sld [smem:$0x3FA4]  }
0x30: {  	s3 =	sld [smem:$0x3FA7]  }
0x31: {  	[smem:$0x3FB0] =	sst s10  }
0x32: {  	s10 =	sld [smem:$0x3FAE];
	_ =	sdelay $0x3  }
0x33: {  	p0 =	seq.s32 s10, $0x1;
	s10 =	sld [smem:$0x3FB0];
	_ =	sdelay $0x3  }
0x34: {  	[smem:$0x3FB0] =	sst s10  }
0x35: {  	s10 =	sld [smem:$0x3FAF];
	_ =	sdelay $0x3  }
0x36: {  	p1 =	seq.s32 s10, $0x1;
	s10 =	sld [smem:$0x3FB0];
	_ =	sdelay $0x3  }
0x37: {  	[smem:$0x3FB0] =	sst s10  }
0x38: {  	s10 =	sld [smem:$0x3FB1]  }
0x39: {  	_ = 	snop;
	(pc) =	sbr.ind lr, $3  }
0x3a: {  	_ = 	snop  }
0x3b: {  	_ = 	snop  }
0x3c: {  	p2 =	seq.s32 s10, $0x1;
	s10 =	sld [smem:$0x3FB0]  }
0x3d: {  	_ =	shalt  }
0x3e: {  	_ =	shalt  }
0x3f: {  	_ =	shalt  }
0x40: {  	_ =	shalt  }
0x41: {  	_ =	shalt  }
0x42: {  	_ =	shalt  }
0x43: {  	_ =	shalt  }
0x44: {  	_ =	shalt  }
0x45: {  	_ =	shalt  }
0x46: {  	_ =	shalt  }
0x47: {  	_ =	shalt  }
0x48: {  	_ =	shalt  }
0x49: {  	_ =	shalt  }
0x4a: {  	_ =	shalt  }
0x4b: {  	_ =	shalt  }
0x4c: {  	_ =	shalt  }
0x4d: {  	_ =	shalt  }
0x4e: {  	_ =	shalt  }
0x4f: {  	_ =	shalt  }
0x50: {  	_ =	shalt  }
0x51: {  	_ =	shalt  }
0x52: {  	_ =	shalt  }
0x53: {  	_ =	shalt  }
0x54: {  	_ =	shalt  }
0x55: {  	_ =	shalt  }
0x56: {  	_ =	shalt  }
0x57: {  	_ =	shalt  }
0x58: {  	_ =	shalt  }
0x59: {  	_ =	shalt  }
0x5a: {  	_ =	shalt  }
0x5b: {  	_ =	shalt  }
0x5c: {  	_ =	shalt  }
0x5d: {  	_ =	shalt  }
0x5e: {  	_ =	shalt  }
0x5f: {  	_ =	shalt  }
0x60: {  	_ =	shalt  }
0x61: {  	_ =	shalt  }
0x62: {  	_ =	shalt  }
0x63: {  	_ =	shalt  }
0x64: {  	_ =	shalt  }
0x65: {  	_ =	shalt  }
0x66: {  	_ =	shalt  }
0x67: {  	_ =	shalt  }
0x68: {  	_ =	shalt  }
0x69: {  	_ =	shalt  }
0x6a: {  	_ =	shalt  }
0x6b: {  	_ =	shalt  }
0x6c: {  	_ =	shalt  }
0x6d: {  	_ =	shalt  }
0x6e: {  	_ =	shalt  }
0x6f: {  	_ =	shalt  }
0x70: {  	_ =	shalt  }
0x71: {  	_ =	shalt  }
0x72: {  	_ =	shalt  }
0x73: {  	_ =	shalt  }
0x74: {  	_ =	shalt  }
0x75: {  	_ =	shalt  }
0x76: {  	_ =	shalt  }
0x77: {  	_ =	shalt  }
0x78: {  	_ =	shalt  }
0x79: {  	_ =	shalt  }
0x7a: {  	_ =	shalt  }
0x7b: {  	_ =	shalt  }
0x7c: {  	_ =	shalt  }
0x7d: {  	_ =	shalt  }
0x7e: {  	_ =	shalt  }
0x7f: {  	_ =	shalt  }
0x80: {  	_ =	shalt  }
0x81: {  	_ =	shalt  }
0x82: {  	_ =	shalt  }
0x83: {  	_ =	shalt  }
0x84: {  	_ =	shalt  }
0x85: {  	_ =	shalt  }
0x86: {  	_ =	shalt  }
0x87: {  	_ =	shalt  }
.Lfunc_end0:
.L_simem_size_0:
called_computation_lowered:
.L_overlay_start_0:
0x88: {  	s2 =	sld [smem:$0x3FD9]  }
0x89: {  	s3 =	sld [smem:$0x3FFE];
	_ =	sdelay $0x1  }
0x8a: {  	s1 =	srdreg.scid  }
0x8b: {  	s0 =	sand.u32 $0x1, s1  }
0x8c: {  	s14 =	sshll.u32 s0, $0xA;
	s2 =	sadd.s32 s3, s2  }
0x8d: {  	s2 =	sadd.s32 s2, s14  }
0x8e: {  	[smem:$0x3FBC] =	sst s2  }
0x8f: {  	_ = 	snop  }
0x90: {  	s2 =	sld [smem:$0x3FD0];
	_ =	sdelay $0x2  }
0x91: {  	s15 =	simm.s32 $0xA;
	s4 =	simm.s32 $0x10  }
0x92: {  	[smem:s4], [sflag:s15] =	dma.local [hbm:s2], $0x1  }
0x93: {  	_ =	swait.eq [sflag:s15], $0x1  }
0x94: {  	[sflag:s15] =	ssyncset.done $0x0  }
0x95: {  	[sflag:s15] =	ssyncadd.s32 $0xFFFFFFFF  }
0x96: {  	s16 =	sld [smem:$0x10];
	(tm) =	ssettm $0x1  }
0x97: {  	s17 =	sld [smem:$0x3FFB];
	_ =	sdelay $0x3  }
0x98: {  	_ =	strace s17  }
0x99: {  	s3 =	sld [smem:$0x3FFC];
	_ =	sdelay $0x3  }
0x9a: {  	_ =	strace s3  }
0x9b: {  	s3 =	sld [smem:$0x3FFD];
	_ =	sdelay $0x3  }
0x9c: {  	_ =	strace s3  }
0x9d: {  	_ =	strace $0x8FFFFFFF  }
0x9e: {  	s18 =	sld [smem:$0x3FDB];
	_ =	sdelay $0x1  }
0x9f: {  	s19 =	simm.s32 $_scs_section_size  }
0xa0: {  	s5 =	simm.s32 $_size__tile_overlayer_lowered;
	s6 =	simm.s32 $_tile_overlayer_lowered  }
0xa1: {  	s22 =	simm.s32 $0x1BFF;
	s21 =	sshll.u32 s6, $0x1;
	s3 =	sadd.s32 s19, s18  }
0xa2: {  	s7 =	simm.s32 $0x0;
	s20 =	sshll.u32 s5, $0x1;
	s5 =	sadd.s32 s21, s3  }
0xa3: {  	[timem:s7], [sflag:s22] =	dma.local [hbm:s5], s20  }
0xa4: {  	_ =	swait.ge [sflag:s22], s20  }
0xa5: {  	s4 =	ssub.s32 $0x0, s20;
	[sflag:s22] =	ssyncset.done $0x0  }
0xa6: {  	[sflag:s22] =	ssyncadd.s32 s4;
	_ =	sdelay $0x1  }
0xa7: {  	s23 =	simm.s32 $0x1B8B  }
0xa8: {  	_ =	swait.ge [sflag:s23], $0x1  }
0xa9: {  	[sflag:s23] =	ssyncset.done $0x0  }
0xaa: {  	s25 =	simm.s32 $0x1B8E;
	s24 =	sld [smem:$0x3FFE];
	[sflag:s23] =	ssyncadd.s32 $0xFFFFFFFF  }
0xab: {  	s26 =	simm.s32 $execute0_lowered;
	[smem:$0x3FD2] =	sst s25  }
0xac: {  	s5 =	sshll.u32 s26, $0x1;
	_ =	strace $0x80000046;
	[dreg:$0x1] =	wrdreg $0xFFFFFFFF  }
0xad: {  	s28 =	simm.s32 $_size_execute0_lowered;
	s3 =	sadd.s32 s3, s5;
	[dreg:$0x0] =	wrdreg $0x0  }
0xae: {  	s5 =	sshll.u32 s28, $0x1;
	[dreg:$0x2] =	wrdreg s3  }
0xaf: {  	[dreg:$0x3] =	wrdreg s5  }
0xb0: {  	[dreg:$0x4] =	wrdreg $0xC0  }
0xb1: {  	_ =	task [dreg:s7], $0x5FFFF  }
0xb2: {  	[dreg:$0x1] =	wrdreg $0xFFFFFFFF  }
0xb3: {  	[dreg:$0x0] =	wrdreg $0x60  }
0xb4: {  	[dreg:$0x2] =	wrdreg s24  }
0xb5: {  	[dreg:$0x3] =	wrdreg s16  }
0xb6: {  	[dreg:$0x4] =	wrdreg $0x9  }
0xb7: {  	_ =	task.clear_ibuf [dreg:s7], $0x5FFFF;
	_ =	strace $0x90000046  }
0xb8: {  	s29 =	simm.s32 $0x9;
	_ =	strace $0x80000048  }
0xb9: {  	_ =	swait.ge [sflag:s29], $0x1  }
0xba: {  	[sflag:s29] =	ssyncadd.s32 $0xFFFFFFFF  }
0xbb: {  	_ =	strace $0x90000048  }
0xbc: {  	_ =	sfence  }
0xbd: {  	s30 =	sld [smem:$0x0];
	_ =	sdelay $0x2  }
0xbe: {  	s31 =	sshll.u32 s1, $0xD;
	s1 =	sshrl.u32 s1, $0x2  }
0xbf: {  	s3 =	sand.u32 $0x4000, s31;
	s1 =	sadd.s32 s1, s30  }
0xc0: {  	s0 =	sor.u32 s3, s0;
	s1 =	sshll.u32 s1, $0x11  }
0xc1: {  	s0 =	sor.u32 s1, s0  }
0xc2: {  	s0 =	sadd.s32 $0x8F2B, s0  }
0xc3: {  	[sflag:s0] =	ssyncadd.remote.s32 $0x1  }
0xc4: {  	_ =	sfence.sel $0xFFFF  }
0xc5: {  	[dreg:$0x0] =	wrdreg $0xFFFFFFFF;
	(pc) =	sbr.abs _section_cstart, $3  }
0xc6: {  	[dreg:$0x1] =	wrdreg $0xFFFFFFFF  }
0xc7: {  	_ =	task.clear_ibuf [dreg:s7], $0x2FFFF;
	_ =	strace $0x9FFFFFFF  }
0xc8: {  	(tm) =	ssettm $0x7FFFFFFF  }
0xc9: {  	_ =	shalt  }
tec
execute0_lowered:
.L_overlay_start_1:
0x0: {  	(tag) =	ssettag $0x1  }
0x1: {  	s4 =	rddreg [dreg:$0x0]  }
0x2: {  	s5 =	rddreg [dreg:$0x1];
	s1 =	simm.s32 $0x0  }
0x3: {  	[smem:$0x7FF] =	sst s1  }
0x4: {  	s0 =	rddreg [dreg:$0x2];
	v0 =	vimm.f32 $8.000000000e+00;
	_ =	strace $0x80000047  }
0x5: {  	(erf) = vrcp.f32 v0;
	v0 =	vimm.f32 $7.000000000e+00  }
0x6: {  	(erf) = vrcp.f32 v0  }
0x7: {  	s3 =	srdreg.scid;
	s2 =	stileid.u32  }
0x8: {  	s7 =	sand.u32 $0x1, s3;
	s31 =	sshll.u32 s2, $0x1  }
0x9: {  	s6 =	sor.u32 s7, s31  }
0xa: {  	p0 =	sgt.u32 s6, $0xE  }
.Ltmp0:
0xb: {  	_ = 	snop;
	(pc) =	sbr.rel @p0 .LBB2_5-.Ltmp0, $3  }
0xc: {  	_ =	sdelay $0x1  }
0xd: {  	v0 =	vpop (erf)  }
0xe: {  	v1 =	vpop (erf)  }
0xf: {  	v4 =	vlaneseq.u32;
	vm0 =	vcmask $0x3F24;
	vm1 =	vcmask $0x1F04  }
0x10: {  	vm2 =	vcmask $0x1F08;
	v5 =	vimm.s32 $0x0;
	vm3 =	vcmask $0x1F0C  }
0x11: {  	vm7 =	vcmask $0x1F10;
	vm4 =	vcmask $0x3F34;
	vm5 =	vcmask $0x1F14  }
0x12: {  	v11 =	vimm.s32 $0xEFCDAB89;
	vm6 =	vcmask $0x1F18;
	v13 =	vimm.s32 $0x67452301  }
0x13: {  	v14 =	vimm.s32 $0xDCFE98BA;
	v15 =	vimm.s32 $0x54761032;
	v16 =	vimm.s32 $0xBA98FEDC  }
0x14: {  	v17 =	vimm.s32 $0x32107654;
	vm8 =	vcmask $0x1F1C;
	v22 =	vimm.s32 $0x1E160E06  }
0x15: {  	v25 =	vimm.s32 $0x1C140C04;
	v26 =	vimm.s32 $0x1D150D05;
	v2 =	vmul.u32 $0xF, v4  }
0x16: {  	v4 =	vshrl.u32 v4, $0x3;
	vm0 =	vmor vm1, vm0;
	vm1 =	vcmask $0x3F28  }
0x17: {  	vm4 =	vmor vm5, vm4;
	vm5 =	vcmask $0x3F38;
	v12 =	vunpack.c.l.s4.s8 v11  }
0x18: {  	v13 =	vunpack.c.l.s4.s8 v13;
	v14 =	vunpack.c.l.s4.s8 v14;
	v15 =	vunpack.c.l.s4.s8 v15  }
0x19: {  	v16 =	vunpack.c.l.s4.s8 v16;
	v17 =	vunpack.c.l.s4.s8 v17;
	v22 =	vunpack.c.0.s8.s32 v22  }
0x1a: {  	v25 =	vunpack.c.0.s8.s32 v25;
	v26 =	vunpack.c.0.s8.s32 v26;
	v4 =	vmul.u32 $0x8, v4  }
0x1b: {  	vm1 =	vmor vm2, vm1;
	vm2 =	vcmask $0x3F2C;
	vm5 =	vmor vm6, vm5  }
0x1c: {  	vm6 =	vcmask $0x3F3C;
	v3 =	vadd.s32 $0xF0, v2;
	v2 =	vadd.s32 s6, v2  }
0x1d: {  	vm2 =	vmor vm3, vm2;
	vm3 =	vcmask $0x3F30;
	v12 =	vunpack.c.0.s8.s32 v12  }
0x1e: {  	v13 =	vunpack.c.0.s8.s32 v13;
	v14 =	vunpack.c.0.s8.s32 v14;
	v15 =	vunpack.c.0.s8.s32 v15  }
0x1f: {  	vm6 =	vmor vm8, vm6;
	v16 =	vunpack.c.0.s8.s32 v16;
	v17 =	vunpack.c.0.s8.s32 v17  }
0x20: {  	v25 =	vsel vm7, v26, v25;
	v26 =	vimm.s32 $0x0;
	v3 =	vadd.s32 s6, v3  }
0x21: {  	v6 =	vor.u32 $0x1, v4;
	v7 =	vor.u32 $0x2, v4;
	v8 =	vor.u32 $0x3, v4  }
0x22: {  	vm3 =	vmor vm7, vm3;
	v9 =	vor.u32 $0x4, v4;
	v10 =	vor.u32 $0x5, v4  }
0x23: {  	v11 =	vor.u32 $0x6, v4;
	v18 =	vor.u32 $0x12, v4;
	v19 =	vor.u32 $0x13, v4  }
0x24: {  	v26 =	vsel vm4, $0xFFFFFFFF, v26;
	v13 =	vcombine.low v13, v12;
	v12 =	vor.u32 $0x7, v4  }
0x25: {  	v14 =	vcombine.low v15, v14;
	v15 =	vcombine.low v17, v16;
	v16 =	vimm.s32 $0x1A120A02  }
0x26: {  	v17 =	vimm.s32 $0x1B130B03;
	[tilespmem:$0x1FFD0] =	vst v26;
	v26 =	vimm.s32 $0x0;
	v20 =	vunpack.c.0.s8.s32 v16  }
0x27: {  	v21 =	vunpack.c.0.s8.s32 v17;
	v16 =	vor.u32 $0x10, v4;
	v17 =	vor.u32 $0x11, v4  }
0x28: {  	v26 =	vsel vm2, $0xFFFFFFFF, v26;
	v13 =	vand.u32 $0xF, v13;
	v14 =	vand.u32 $0xF, v14  }
0x29: {  	s3 =	sadd.s32 $0x2400, s4;
	v24 =	vsel vm7, v21, v20;
	v20 =	vimm.s32 $0x18100800;
	v21 =	vimm.s32 $0x19110901  }
0x2a: {  	s7 =	ssub.s32 $0x2, s7;
	s30 =	sshll.u32 s6, $0x4;
	s4 =	sadd.s32 $0x4200, s4;
	v23 =	vunpack.c.0.s8.s32 v20;
	v21 =	vunpack.c.0.s8.s32 v21;
	v20 =	vimm.s32 $0x1F170F07  }
0x2b: {  	s9 =	simm.s32 $0x1;
	s10 =	simm.s32 $0x2100;
	s11 =	simm.s32 $0x2080;
	v15 =	vand.u32 $0xF, v15;
	[tilespmem:$0x1FFE0] =	vst v26;
	v26 =	vimm.s32 $0x0;
	v27 =	vunpack.c.0.s8.s32 v20  }
0x2c: {  	s12 =	simm.s32 $0x2;
	s13 =	simm.s32 $0x1080;
	s8 =	sshrl.u32 s7, $0x1;
	v26 =	vsel vm0, $0xFFFFFFFF, v26;
	v20 =	vor.u32 $0x14, v4;
	v28 =	vsel vm7, v21, v23  }
0x2d: {  	s14 =	simm.s32 $0x0;
	s5 =	sadd.s32 s5, s30;
	s31 =	ssub.s32 s7, s8;
	v21 =	vor.u32 $0x15, v4;
	v23 =	vor.u32 $0x17, v4;
	v27 =	vsel vm7, v27, v22  }
0x2e: {  	s7 =	simm.s32 $0x20;
	s8 =	simm.s32 $0x80;
	s6 =	smax.u32 s31, $0x1;
	[tilespmem:$0x1FFF0] =	vst v26;
	v22 =	vor.u32 $0x16, v4;
	v24 =	vcombine.low v28, v24;
	v25 =	vcombine.low v25, v27  }
.LBB2_2:
0x2f: {  	[tilespmem:$0x0] =	vst v2  }
0x30: {  	[tilespmem:$0x10] =	vst v3;
	s15 =	simm.s32 $0x0;
	s16 =	simm.s32 $0x0  }
0x31: {  	[tilespmem:s8], [sflag:$0x1] =	stream.indirect.gather [hbm4b:s3+s7], $0x80, s15, s7, $0xb8;
	v26 =	vor.u32 s16, v4;
	[tilespmem:$0x2180] =	vst v63  }
0x32: {  	v27 =	vor.u32 s16, v12;
	_ =	swait.ge [sflag:s9], $0x1000  }
0x33: {  	v28 =	vor.u32 s16, v6;
	[sflag:s9] =	ssyncset.done $0x0  }
0x34: {  	s15 =	simm.s32 $0x90;
	v29 =	vor.u32 s16, v10;
	[sflag:s9] =	ssyncadd.s32 $0xFFFFF000  }
0x35: {  	v30 =	vor.u32 s16, v11;
	v31 =	vld [tilespmem:s15+$0xFFFFFFF0]  }
0x36: {  	v32 =	vor.u32 s16, v7;
	v26 =	vld.idx.msk [tilespmem:v26+s8+$0x0], $0xffff  }
0x37: {  	v33 =	vor.u32 s16, v8;
	v27 =	vld.idx.msk [tilespmem:v27+s8+$0x0], $0xffff  }
0x38: {  	v34 =	vor.u32 s16, v9;
	v28 =	vld.idx.msk [tilespmem:v28+s8+$0x0], $0xffff  }
0x39: {  	v29 =	vld.idx.msk [tilespmem:v29+s8+$0x0], $0xffff  }
0x3a: {  	v30 =	vld.idx.msk [tilespmem:v30+s8+$0x0], $0xffff  }
0x3b: {  	v32 =	vld.idx.msk [tilespmem:v32+s8+$0x0], $0xffff  }
0x3c: {  	v33 =	vld.idx.msk [tilespmem:v33+s8+$0x0], $0xffff  }
0x3d: {  	v34 =	vld.idx.msk [tilespmem:v34+s8+$0x0], $0xffff;
	[tilespmem:$0x2100] =	vst v31  }
0x3e: {  	v35 =	vld.idx.msk [tilespmem:v13+s10+$0x0], $0xffff;
	_ =	sdelay $0x4  }
0x3f: {  	v35 =	vmax.f32 v31, v35  }
0x40: {  	[tilespmem:$0x2100] =	vst v35  }
0x41: {  	v36 =	vld.idx.msk [tilespmem:v14+s10+$0x0], $0xffff;
	_ =	sdelay $0x4  }
0x42: {  	v35 =	vmax.f32 v35, v36  }
0x43: {  	[tilespmem:$0x2100] =	vst v35  }
0x44: {  	v52 =	vld.idx.msk [tilespmem:v15+s10+$0x0], $0xffff  }
0x45: {  	vm7 =	veq.f32 v26, v31;
	vm8 =	vgt.f32 v26, v31;
	vm12 =	veq.f32 v28, v31  }
0x46: {  	vm10 =	vgt.f32 v28, v31;
	vm11 =	vgt.f32 v29, v31;
	vm13 =	veq.f32 v32, v31  }
0x47: {  	vm14 =	vgt.f32 v32, v31;
	vm15 =	veq.f32 v29, v31;
	vm9 =	vmand vm7, vm0  }
0x48: {  	vm7 =	vgt.f32 v27, v31;
	vm8 =	vmor vm8, vm9;
	vm9 =	vmand vm12, vm1  }
0x49: {  	vm12 =	vgt.f32 v33, v31;
	v26 =	vsel vm8, $0x1, v5;
	v27 =	vmax.f32 v35, v52  }
0x4a: {  	vm8 =	vmor vm10, vm9;
	vm9 =	vmand vm13, vm2;
	v27 =	vsub.f32 v31, v27  }
0x4b: {  	vm10 =	vmand vm15, vm5;
	vm13 =	veq.f32 v34, v31;
	vm9 =	vmor vm14, vm9  }
0x4c: {  	v28 =	vsel vm8, $0x1, v5;
	vm8 =	veq.f32 v33, v31;
	v27 =	vmul.f32 $1.442695020e+00, v27  }
0x4d: {  	vm15 =	veq.f32 v30, v31;
	v29 =	vsel vm9, $0x1, v5;
	vm8 =	vmand vm8, vm3  }
0x4e: {  	v26 =	vadd.s32 v26, v28;
	vm8 =	vmor vm12, vm8;
	(erf) = vpow2.f32 v27  }
0x4f: {  	vm9 =	vmand vm13, vm4;
	v27 =	vsel vm8, $0x1, v5;
	vm8 =	vgt.f32 v34, v31  }
0x50: {  	vm14 =	vmor vm11, vm10;
	v26 =	vadd.s32 v29, v26;
	vm8 =	vmor vm8, vm9  }
0x51: {  	vm10 =	vmand vm15, vm6;
	v26 =	vadd.s32 v27, v26;
	v27 =	vsel vm8, $0x1, v5  }
0x52: {  	vm8 =	vgt.f32 v30, v31;
	v26 =	vadd.s32 v27, v26;
	v27 =	vsel vm14, $0x1, v5  }
0x53: {  	vm8 =	vmor vm8, vm10;
	v26 =	vadd.s32 v27, v26;
	v27 =	vsel vm7, $0x1, v5  }
0x54: {  	v28 =	vsel vm8, $0x1, v5;
	v26 =	vadd.s32 v27, v26  }
0x55: {  	v26 =	vadd.s32 v28, v26  }
0x56: {  	vm7 =	vlt.u32 v26, $0x4  }
0x57: {  	v26 =	vsel vm7, $0x3F800000, v5;
	v27 =	vpop (erf)  }
0x58: {  	v27 =	vmul.f32 v26, v27;
	_ =	sdelay $0x1  }
0x59: {  	[tilespmem:$0x2100] =	vst v27  }
0x5a: {  	v28 =	vld.idx.msk [tilespmem:v13+s10+$0x0], $0xffff;
	_ =	sdelay $0x4  }
0x5b: {  	v28 =	vadd.f32 v27, v28;
	_ =	sdelay $0x1  }
0x5c: {  	[tilespmem:$0x2100] =	vst v28  }
0x5d: {  	v29 =	vld.idx.msk [tilespmem:v14+s10+$0x0], $0xffff;
	_ =	sdelay $0x4  }
0x5e: {  	v30 =	vor.u32 s16, v16;
	v28 =	vadd.f32 v28, v29  }
0x5f: {  	v31 =	vor.u32 s16, v22  }
0x60: {  	v54 =	vor.u32 s16, v19;
	[tilespmem:$0x2100] =	vst v28  }
0x61: {  	v56 =	vor.u32 s16, v21;
	v53 =	vld [tilespmem:s15+$0x0]  }
0x62: {  	v57 =	vor.u32 s16, v18;
	v55 =	vld.idx.msk [tilespmem:v15+s10+$0x0], $0xffff  }
0x63: {  	v37 =	vor.u32 s16, v20;
	v30 =	vld.idx.msk [tilespmem:v30+s8+$0x0], $0xffff  }
0x64: {  	v38 =	vor.u32 s16, v17;
	v31 =	vld.idx.msk [tilespmem:v31+s8+$0x0], $0xffff  }
0x65: {  	v29 =	vor.u32 s16, v23;
	v33 =	vld.idx.msk [tilespmem:v54+s8+$0x0], $0xffff  }
0x66: {  	v35 =	vld.idx.msk [tilespmem:v56+s8+$0x0], $0xffff  }
0x67: {  	v36 =	vld.idx.msk [tilespmem:v57+s8+$0x0], $0xffff  }
0x68: {  	v37 =	vld.idx.msk [tilespmem:v37+s8+$0x0], $0xffff  }
0x69: {  	v38 =	vld.idx.msk [tilespmem:v38+s8+$0x0], $0xffff  }
0x6a: {  	v29 =	vld.idx.msk [tilespmem:v29+s8+$0x0], $0xffff;
	[tilespmem:$0x2100] =	vst v53  }
0x6b: {  	v39 =	vld.idx.msk [tilespmem:v13+s10+$0x0], $0xffff;
	_ =	sdelay $0x4  }
0x6c: {  	v39 =	vmax.f32 v53, v39  }
0x6d: {  	[tilespmem:$0x2100] =	vst v39  }
0x6e: {  	v40 =	vld.idx.msk [tilespmem:v14+s10+$0x0], $0xffff;
	_ =	sdelay $0x4  }
0x6f: {  	v28 =	vadd.f32 v28, v55;
	v39 =	vmax.f32 v39, v40  }
0x70: {  	vm7 =	veq.f32 v30, v53;
	vm8 =	vgt.f32 v30, v53;
	vm12 =	veq.f32 v33, v53;
	[tilespmem:$0x2100] =	vst v39  }
0x71: {  	vm13 =	vgt.f32 v33, v53;
	vm14 =	veq.f32 v35, v53;
	vm15 =	veq.f32 v38, v53;
	v58 =	vld.idx.msk [tilespmem:v15+s10+$0x0], $0xffff  }
0x72: {  	vm7 =	vmand vm7, vm0;
	vm9 =	vmand vm12, vm3;
	vm11 =	vmand vm14, vm5  }
0x73: {  	vm12 =	vgt.f32 v38, v53;
	vm10 =	vmand vm15, vm1;
	vm7 =	vmor vm8, vm7  }
0x74: {  	vm8 =	vgt.f32 v35, v53;
	vm9 =	vmor vm13, vm9;
	vm13 =	veq.f32 v36, v53  }
0x75: {  	vm14 =	veq.f32 v37, v53;
	vm8 =	vmor vm8, vm11;
	vm11 =	vmand vm13, vm2  }
0x76: {  	v59 =	vsel vm7, $0x1, v5;
	vm7 =	vgt.f32 v36, v53;
	v30 =	vmax.f32 v39, v58  }
0x77: {  	vm10 =	vmor vm12, vm10;
	vm7 =	vmor vm7, vm11;
	v30 =	vsub.f32 v53, v30  }
0x78: {  	(erf) = vrcp.f32 v28;
	v60 =	vsel vm7, $0x1, v5;
	vm7 =	vgt.f32 v37, v53  }
0x79: {  	v28 =	vmul.f32 $1.442695020e+00, v30;
	v30 =	vsel vm10, $0x1, v5;
	vm10 =	vmand vm14, vm4  }
0x7a: {  	vm15 =	vgt.f32 v29, v53;
	vm7 =	vmor vm7, vm10  }
0x7b: {  	(erf) = vpow2.f32 v28;
	v28 =	vadd.s32 v59, v30;
	v30 =	vsel vm9, $0x1, v5  }
0x7c: {  	v29 =	vsel vm7, $0x1, v5;
	vm7 =	veq.f32 v31, v53;
	v28 =	vadd.s32 v60, v28  }
0x7d: {  	vm7 =	vmand vm7, vm6;
	v28 =	vadd.s32 v30, v28  }
0x7e: {  	v30 =	vsel vm8, $0x1, v5;
	vm8 =	vgt.f32 v31, v53;
	v28 =	vadd.s32 v29, v28  }
0x7f: {  	vm7 =	vmor vm8, vm7;
	v29 =	vsel vm15, $0x1, v5;
	v28 =	vadd.s32 v30, v28  }
0x80: {  	v30 =	vsel vm7, $0x1, v5;
	v28 =	vadd.s32 v29, v28  }
0x81: {  	v28 =	vadd.s32 v30, v28;
	_ =	sdelay $0x1  }
0x82: {  	v29 =	vpop (erf);
	vm7 =	vlt.u32 v28, $0x4  }
0x83: {  	v30 =	vsel vm7, $0x3F800000, v5;
	v28 =	vpop (erf)  }
0x84: {  	v28 =	vmul.f32 v30, v28;
	_ =	sdelay $0x1  }
0x85: {  	[tilespmem:$0x2100] =	vst v28  }
0x86: {  	v31 =	vld.idx.msk [tilespmem:v13+s10+$0x0], $0xffff;
	_ =	sdelay $0x4  }
0x87: {  	v31 =	vadd.f32 v28, v31;
	_ =	sdelay $0x1  }
0x88: {  	[tilespmem:$0x2100] =	vst v31  }
0x89: {  	v61 =	vld.idx.msk [tilespmem:v14+s10+$0x0], $0xffff;
	_ =	sdelay $0x4  }
0x8a: {  	v31 =	vadd.f32 v31, v61;
	_ =	sdelay $0x1  }
0x8b: {  	[tilespmem:$0x2100] =	vst v31  }
0x8c: {  	v62 =	vld.idx.msk [tilespmem:v15+s10+$0x0], $0xffff;
	_ =	sdelay $0x4  }
0x8d: {  	v31 =	vadd.f32 v31, v62;
	_ =	sdelay $0x1  }
0x8e: {  	(erf) = vrcp.f32 v31;
	_ =	sdelay $0x8  }
0x8f: {  	v27 =	vmul.f32 v29, v27;
	v29 =	vpop (erf)  }
0x90: {  	v31 =	vmul.f32 v29, v28  }
0x91: {  	v63 =	vimm.f32 $0.0e+00;
	[tilespmem:$0x2080] =	vst v27  }
0x92: {  	v28 =	vadd.f32 v26, v63;
	v29 =	vadd.f32 v27, v63;
	[tilespmem:$0x2090] =	vst v31  }
0x93: {  	s17 =	simm.s32 $0x1;
	s18 =	simm.s32 $0x1090;
	s16 =	simm.s32 $0x1090;
	v26 =	vadd.f32 v30, v63;
	v27 =	vadd.f32 v31, v63;
	v30 =	vld.idx.msk [tilespmem:v24+s11+$0x0], $0xffff  }
.LBB2_3:
0x94: {  	_ =	sdelay $0x3  }
0x95: {  	[tilespmem:s18+$0xFFFFFFF0] =	vst v30  }
0x96: {  	s19 =	smov.u32 s17;
	v30 =	vld.idx.msk [tilespmem:v25+s11+$0x0], $0xffff  }
0x97: {  	s19 =	sshll.u32 s19, $0x7  }
0x98: {  	v31 =	vor.u32 s19, v4  }
0x99: {  	v33 =	vor.u32 s19, v12  }
0x9a: {  	v32 =	vor.u32 s19, v6  }
0x9b: {  	s15 =	sadd.s32 $0x80, s15;
	v46 =	vld [tilespmem:$0x1FFE0];
	v38 =	vor.u32 s19, v10;
	[tilespmem:s18+$0x0] =	vst v30  }
0x9c: {  	v34 =	vor.u32 s19, v7;
	v30 =	vld [tilespmem:s15+$0xFFFFFFF0]  }
0x9d: {  	v31 =	vld.idx.msk [tilespmem:v31+s8+$0x0], $0xffff  }
0x9e: {  	v33 =	vld.idx.msk [tilespmem:v33+s8+$0x0], $0xffff  }
0x9f: {  	v35 =	vor.u32 s19, v8;
	v32 =	vld.idx.msk [tilespmem:v32+s8+$0x0], $0xffff  }
0xa0: {  	v36 =	vor.u32 s19, v11;
	v38 =	vld.idx.msk [tilespmem:v38+s8+$0x0], $0xffff  }
0xa1: {  	v37 =	vor.u32 s19, v9;
	v34 =	vld.idx.msk [tilespmem:v34+s8+$0x0], $0xffff;
	_ =	sdelay $0x1  }
0xa2: {  	v49 =	vld [tilespmem:$0x1FFD0];
	vm2 =	vnez.u8 v46;
	vm7 =	veq.f32 v31, v30  }
0xa3: {  	vm8 =	vgt.f32 v31, v30;
	v31 =	vld.idx.msk [tilespmem:v35+s8+$0x0], $0xffff;
	vm10 =	vgt.f32 v32, v30;
	vm9 =	vmand vm7, vm0  }
0xa4: {  	v36 =	vld.idx.msk [tilespmem:v36+s8+$0x0], $0xffff;
	vm12 =	veq.f32 v38, v30;
	vm9 =	vmor vm8, vm9;
	vm8 =	veq.f32 v32, v30  }
0xa5: {  	v42 =	vld.idx.msk [tilespmem:v37+s8+$0x0], $0xffff;
	[tilespmem:$0x2100] =	vst v30;
	vm13 =	veq.f32 v34, v30;
	vm7 =	vgt.f32 v33, v30;
	vm11 =	vmand vm8, vm1  }
0xa6: {  	v43 =	vld.idx.msk [tilespmem:v13+s10+$0x0], $0xffff;
	vm8 =	vgt.f32 v38, v30;
	v44 =	vsel vm9, $0x1, v5;
	vm9 =	vgt.f32 v34, v30  }
0xa7: {  	vm15 =	vmor vm10, vm11;
	vm10 =	vmand vm12, vm5;
	vm11 =	vmand vm13, vm2  }
0xa8: {  	vm2 =	vnez.u8 v49;
	v45 =	vsel vm15, $0x1, v5;
	vm12 =	vgt.f32 v31, v30  }
0xa9: {  	vm13 =	veq.f32 v31, v30;
	vm9 =	vmor vm9, vm11;
	vm8 =	vmor vm8, vm10  }
0xaa: {  	v31 =	vadd.s32 v44, v45;
	vm14 =	vmand vm13, vm3;
	v47 =	vsel vm9, $0x1, v5  }
0xab: {  	v32 =	vmax.f32 v30, v43;
	vm15 =	vmor vm12, vm14;
	vm12 =	veq.f32 v42, v30  }
0xac: {  	vm13 =	vgt.f32 v42, v30;
	v52 =	vsel vm8, $0x1, v5;
	vm11 =	vmand vm12, vm2  }
0xad: {  	v31 =	vadd.s32 v47, v31;
	[tilespmem:$0x2100] =	vst v32;
	v48 =	vsel vm15, $0x1, v5;
	vm9 =	vmor vm13, vm11  }
0xae: {  	vm14 =	veq.f32 v36, v30;
	v50 =	vld.idx.msk [tilespmem:v14+s10+$0x0], $0xffff;
	v31 =	vadd.s32 v48, v31;
	v51 =	vsel vm9, $0x1, v5  }
0xaf: {  	vm15 =	vgt.f32 v36, v30;
	vm10 =	vmand vm14, vm6;
	v31 =	vadd.s32 v51, v31  }
0xb0: {  	v53 =	vsel vm7, $0x1, v5;
	vm8 =	vmor vm15, vm10;
	v31 =	vadd.s32 v52, v31  }
0xb1: {  	v54 =	vsel vm8, $0x1, v5;
	v31 =	vadd.s32 v53, v31  }
0xb2: {  	v31 =	vadd.s32 v54, v31  }
0xb3: {  	vm7 =	vlt.u32 v31, $0x4;
	v31 =	vmax.f32 v32, v50  }
0xb4: {  	[tilespmem:$0x2100] =	vst v31  }
0xb5: {  	v55 =	vld.idx.msk [tilespmem:v15+s10+$0x0], $0xffff;
	_ =	sdelay $0x4  }
0xb6: {  	v31 =	vmax.f32 v31, v55  }
0xb7: {  	v30 =	vsub.f32 v30, v31;
	_ =	sdelay $0x1  }
0xb8: {  	v30 =	vmul.f32 $1.442695020e+00, v30;
	_ =	sdelay $0x1  }
0xb9: {  	(erf) = vpow2.f32 v30;
	_ =	sdelay $0x8  }
0xba: {  	v30 =	vsel vm7, $0x3F800000, v5;
	v31 =	vpop (erf)  }
0xbb: {  	v31 =	vmul.f32 v30, v31;
	_ =	sdelay $0x1  }
0xbc: {  	[tilespmem:$0x2100] =	vst v31  }
0xbd: {  	v28 =	vadd.f32 v30, v28;
	v30 =	vld.idx.msk [tilespmem:v13+s10+$0x0], $0xffff;
	_ =	sdelay $0x4  }
0xbe: {  	v30 =	vadd.f32 v31, v30;
	_ =	sdelay $0x1  }
0xbf: {  	[tilespmem:$0x2100] =	vst v30  }
0xc0: {  	v56 =	vld.idx.msk [tilespmem:v14+s10+$0x0], $0xffff;
	_ =	sdelay $0x4  }
0xc1: {  	v57 =	vor.u32 s19, v23;
	v30 =	vadd.f32 v30, v56  }
0xc2: {  	v58 =	vor.u32 s19, v16  }
0xc3: {  	v59 =	vor.u32 s19, v22;
	[tilespmem:$0x2100] =	vst v30  }
0xc4: {  	v61 =	vor.u32 s19, v19;
	v60 =	vld [tilespmem:s15+$0x0]  }
0xc5: {  	v63 =	vor.u32 s19, v21;
	v62 =	vld.idx.msk [tilespmem:v15+s10+$0x0], $0xffff  }
0xc6: {  	v39 =	vor.u32 s19, v18;
	v32 =	vld.idx.msk [tilespmem:v57+s8+$0x0], $0xffff  }
0xc7: {  	v40 =	vor.u32 s19, v20;
	v33 =	vld.idx.msk [tilespmem:v58+s8+$0x0], $0xffff  }
0xc8: {  	v41 =	vor.u32 s19, v17;
	v34 =	vld.idx.msk [tilespmem:v59+s8+$0x0], $0xffff  }
0xc9: {  	v36 =	vld.idx.msk [tilespmem:v61+s8+$0x0], $0xffff  }
0xca: {  	v38 =	vld.idx.msk [tilespmem:v63+s8+$0x0], $0xffff  }
0xcb: {  	v44 =	vld.idx.msk [tilespmem:v39+s8+$0x0], $0xffff  }
0xcc: {  	v45 =	vld.idx.msk [tilespmem:v40+s8+$0x0], $0xffff;
	v30 =	vadd.f32 v30, v62  }
0xcd: {  	v46 =	vld.idx.msk [tilespmem:v41+s8+$0x0], $0xffff;
	[tilespmem:$0x2100] =	vst v60  }
0xce: {  	(erf) = vrcp.f32 v30;
	v30 =	vld.idx.msk [tilespmem:v13+s10+$0x0], $0xffff;
	_ =	sdelay $0x4  }
0xcf: {  	v30 =	vmax.f32 v60, v30  }
0xd0: {  	[tilespmem:$0x2100] =	vst v30  }
0xd1: {  	v53 =	vld.idx.msk [tilespmem:v14+s10+$0x0], $0xffff  }
0xd2: {  	v47 =	vld [tilespmem:$0x1FFE0];
	_ =	sdelay $0x3  }
0xd3: {  	vm4 =	vmmov vm6;
	v30 =	vmax.f32 v30, v53  }
0xd4: {  	vm2 =	vnez.u8 v47;
	vm7 =	vgt.f32 v32, v60;
	vm10 =	vgt.f32 v33, v60;
	[tilespmem:$0x2100] =	vst v30  }
0xd5: {  	vm8 =	veq.f32 v33, v60;
	vm9 =	veq.f32 v34, v60;
	vm12 =	vgt.f32 v36, v60;
	v59 =	vld.idx.msk [tilespmem:v15+s10+$0x0], $0xffff  }
0xd6: {  	vm13 =	veq.f32 v36, v60;
	vm14 =	vgt.f32 v38, v60;
	vm15 =	veq.f32 v38, v60  }
0xd7: {  	vm11 =	vmand vm8, vm0;
	vm9 =	vmand vm9, vm6;
	vm13 =	vmand vm13, vm3  }
0xd8: {  	v48 =	vld [tilespmem:$0x1FFD0];
	vm0 =	veq.f32 v46, v60;
	vm6 =	vmmov vm5;
	vm11 =	vmor vm10, vm11  }
0xd9: {  	vm12 =	vmor vm12, vm13;
	vm10 =	vmand vm15, vm5;
	vm13 =	veq.f32 v44, v60  }
0xda: {  	vm15 =	veq.f32 v45, v60;
	vm5 =	vmmov vm3;
	v30 =	vmax.f32 v30, v59  }
0xdb: {  	vm3 =	vmmov vm1;
	vm1 =	vgt.f32 v45, v60;
	v30 =	vsub.f32 v60, v30  }
0xdc: {  	vm10 =	vmor vm14, vm10;
	vm14 =	vgt.f32 v46, v60;
	vm0 =	vmand vm0, vm3  }
0xdd: {  	vm13 =	vmand vm13, vm2;
	vm2 =	vnez.u8 v48;
	v30 =	vmul.f32 $1.442695020e+00, v30  }
0xde: {  	v49 =	vsel vm11, $0x1, v5;
	vm0 =	vmor vm14, vm0;
	vm14 =	vgt.f32 v44, v60  }
0xdf: {  	v50 =	vsel vm0, $0x1, v5;
	vm0 =	vmor vm14, vm13;
	v51 =	vpop (erf);
	(erf) = vpow2.f32 v30  }
0xe0: {  	vm15 =	vmand vm15, vm2;
	v32 =	vadd.s32 v49, v50;
	v52 =	vsel vm0, $0x1, v5  }
0xe1: {  	v54 =	vsel vm12, $0x1, v5;
	vm0 =	vmor vm1, vm15;
	v32 =	vadd.s32 v52, v32  }
0xe2: {  	v55 =	vsel vm0, $0x1, v5;
	v32 =	vadd.s32 v54, v32  }
0xe3: {  	vm8 =	vgt.f32 v34, v60;
	v56 =	vsel vm10, $0x1, v5;
	v32 =	vadd.s32 v55, v32  }
0xe4: {  	v57 =	vsel vm7, $0x1, v5;
	vm1 =	vmor vm8, vm9;
	v32 =	vadd.s32 v56, v32  }
0xe5: {  	v58 =	vsel vm1, $0x1, v5;
	v32 =	vadd.s32 v57, v32  }
0xe6: {  	v32 =	vadd.s32 v58, v32  }
0xe7: {  	vm0 =	vlt.u32 v32, $0x4  }
0xe8: {  	v30 =	vsel vm0, $0x3F800000, v5;
	v61 =	vpop (erf)  }
0xe9: {  	v32 =	vmul.f32 v30, v61;
	_ =	sdelay $0x1  }
0xea: {  	[tilespmem:$0x2100] =	vst v32  }
0xeb: {  	v26 =	vadd.f32 v30, v26;
	v30 =	vld.idx.msk [tilespmem:v13+s10+$0x0], $0xffff;
	_ =	sdelay $0x4  }
0xec: {  	v30 =	vadd.f32 v32, v30;
	_ =	sdelay $0x1  }
0xed: {  	[tilespmem:$0x2100] =	vst v30  }
0xee: {  	v62 =	vld.idx.msk [tilespmem:v14+s10+$0x0], $0xffff;
	_ =	sdelay $0x4  }
0xef: {  	v30 =	vadd.f32 v30, v62;
	_ =	sdelay $0x1  }
0xf0: {  	[tilespmem:$0x2100] =	vst v30  }
0xf1: {  	v63 =	vld.idx.msk [tilespmem:v15+s10+$0x0], $0xffff;
	_ =	sdelay $0x4  }
0xf2: {  	v30 =	vadd.f32 v30, v63;
	_ =	sdelay $0x1  }
0xf3: {  	(erf) = vrcp.f32 v30;
	_ =	sdelay $0x7  }
0xf4: {  	p0 =	sne.s32 s17, $0x1F;
	v60 =	vld [tilespmem:$0x1FFF0]  }
.Ltmp1:
0xf5: {  	v31 =	vmul.f32 v51, v31;
	v30 =	vpop (erf);
	(pc) =	sbr.rel @p0 .LBB2_3-.Ltmp1, $4  }
0xf6: {  	v30 =	vmul.f32 v30, v32  }
0xf7: {  	vm1 =	vmmov vm3;
	[tilespmem:$0x2080] =	vst v31  }
0xf8: {  	s16 =	sadd.s32 $0x80, s16;
	vm3 =	vmmov vm5;
	vm5 =	vmmov vm6;
	vm6 =	vmmov vm4;
	[tilespmem:$0x2090] =	vst v30  }
0xf9: {  	s17 =	sadd.s32 $0x1, s17;
	s18 =	smov.u32 s16;
	v29 =	vadd.f32 v31, v29;
	vm0 =	vnez.u8 v60;
	v27 =	vadd.f32 v30, v27;
	v30 =	vld.idx.msk [tilespmem:v24+s11+$0x0], $0xffff  }
0xfa: {  	_ =	sdelay $0x3  }
0xfb: {  	[tilespmem:s18+$0xFFFFFFF0] =	vst v30  }
0xfc: {  	v30 =	vld.idx.msk [tilespmem:v25+s11+$0x0], $0xffff;
	_ =	sdelay $0x4  }
0xfd: {  	[tilespmem:s18+$0x0] =	vst v30  }
0xfe: {  	[tilespmem:$0x2100] =	vst v29  }
0xff: {  	v30 =	vld.idx.msk [tilespmem:v13+s10+$0x0], $0xffff;
	_ =	sdelay $0x4  }
0x100: {  	v30 =	vadd.f32 v30, v29;
	_ =	sdelay $0x1  }
0x101: {  	[tilespmem:$0x2100] =	vst v30  }
0x102: {  	v31 =	vld.idx.msk [tilespmem:v14+s10+$0x0], $0xffff;
	_ =	sdelay $0x4  }
0x103: {  	v30 =	vadd.f32 v31, v30;
	_ =	sdelay $0x1  }
0x104: {  	[tilespmem:$0x2100] =	vst v30  }
0x105: {  	v39 =	vld.idx.msk [tilespmem:v15+s10+$0x0], $0xffff;
	_ =	sdelay $0x4  }
0x106: {  	v30 =	vadd.f32 v39, v30;
	_ =	sdelay $0x1  }
0x107: {  	v30 =	vmul.f32 v30, v0;
	_ =	sdelay $0x1  }
0x108: {  	v40 =	vsub.f32 v29, v30;
	_ =	sdelay $0x1  }
0x109: {  	v29 =	vmul.f32 v40, v40;
	_ =	sdelay $0x1  }
0x10a: {  	[tilespmem:$0x2100] =	vst v29  }
0x10b: {  	v41 =	vld.idx.msk [tilespmem:v13+s10+$0x0], $0xffff;
	_ =	sdelay $0x4  }
0x10c: {  	v29 =	vadd.f32 v29, v41;
	_ =	sdelay $0x1  }
0x10d: {  	[tilespmem:$0x2100] =	vst v29  }
0x10e: {  	v42 =	vld.idx.msk [tilespmem:v14+s10+$0x0], $0xffff;
	_ =	sdelay $0x4  }
0x10f: {  	v29 =	vadd.f32 v29, v42;
	_ =	sdelay $0x1  }
0x110: {  	[tilespmem:$0x2100] =	vst v29  }
0x111: {  	v43 =	vld.idx.msk [tilespmem:v15+s10+$0x0], $0xffff;
	[tilespmem:$0x2100] =	vst v28  }
0x112: {  	v32 =	vld.idx.msk [tilespmem:v13+s10+$0x0], $0xffff;
	_ =	sdelay $0x4  }
0x113: {  	v32 =	vadd.f32 v32, v28;
	_ =	sdelay $0x1  }
0x114: {  	[tilespmem:$0x2100] =	vst v32  }
0x115: {  	v33 =	vld.idx.msk [tilespmem:v14+s10+$0x0], $0xffff;
	_ =	sdelay $0x4  }
0x116: {  	v32 =	vadd.f32 v33, v32;
	_ =	sdelay $0x1  }
0x117: {  	[tilespmem:$0x2100] =	vst v32  }
0x118: {  	v44 =	vld.idx.msk [tilespmem:v15+s10+$0x0], $0xffff;
	_ =	sdelay $0x4  }
0x119: {  	v32 =	vadd.f32 v44, v32;
	_ =	sdelay $0x1  }
0x11a: {  	v32 =	vmul.f32 v32, v0;
	_ =	sdelay $0x1  }
0x11b: {  	v45 =	vsub.f32 v28, v32;
	_ =	sdelay $0x1  }
0x11c: {  	v28 =	vmul.f32 v45, v45;
	_ =	sdelay $0x1  }
0x11d: {  	[tilespmem:$0x2100] =	vst v28  }
0x11e: {  	v46 =	vld.idx.msk [tilespmem:v13+s10+$0x0], $0xffff;
	_ =	sdelay $0x4  }
0x11f: {  	v28 =	vadd.f32 v28, v46;
	_ =	sdelay $0x1  }
0x120: {  	[tilespmem:$0x2100] =	vst v28  }
0x121: {  	v47 =	vld.idx.msk [tilespmem:v14+s10+$0x0], $0xffff;
	_ =	sdelay $0x1  }
0x122: {  	v30 =	vmul.f32 v30, v30  }
0x123: {  	v32 =	vmul.f32 v32, v32  }
0x124: {  	v30 =	vadd.f32 $1.000000010e-10, v30  }
0x125: {  	v32 =	vadd.f32 $1.000000010e-10, v32;
	v28 =	vadd.f32 v28, v47  }
0x126: {  	(erf) = vrcp.f32 v30  }
0x127: {  	(erf) = vrcp.f32 v32;
	[tilespmem:$0x2100] =	vst v28  }
0x128: {  	v48 =	vld.idx.msk [tilespmem:v15+s10+$0x0], $0xffff;
	_ =	sdelay $0x4  }
0x129: {  	v29 =	vadd.f32 v43, v29;
	v28 =	vadd.f32 v48, v28;
	_ =	sdelay $0x1  }
0x12a: {  	v49 =	vpop (erf);
	v29 =	vmul.f32 v29, v1;
	v28 =	vmul.f32 v28, v1  }
0x12b: {  	v50 =	vpop (erf)  }
0x12c: {  	v29 =	vmul.f32 v29, v49;
	v28 =	vmul.f32 v28, v50;
	_ =	sdelay $0x1  }
0x12d: {  	v28 =	vadd.f32 v28, v29  }
0x12e: {  	[tilespmem:$0x2100] =	vst v27  }
0x12f: {  	[tilespmem:$0x2080] =	vst v28  }
0x130: {  	v28 =	vld.idx.msk [tilespmem:v13+s10+$0x0], $0xffff;
	_ =	sdelay $0x4  }
0x131: {  	v28 =	vadd.f32 v28, v27;
	_ =	sdelay $0x1  }
0x132: {  	[tilespmem:$0x2100] =	vst v28  }
0x133: {  	v51 =	vld.idx.msk [tilespmem:v14+s10+$0x0], $0xffff;
	_ =	sdelay $0x4  }
0x134: {  	v28 =	vadd.f32 v51, v28;
	_ =	sdelay $0x1  }
0x135: {  	[tilespmem:$0x2100] =	vst v28  }
0x136: {  	v52 =	vld.idx.msk [tilespmem:v15+s10+$0x0], $0xffff;
	_ =	sdelay $0x4  }
0x137: {  	v28 =	vadd.f32 v52, v28;
	_ =	sdelay $0x1  }
0x138: {  	v28 =	vmul.f32 v28, v0;
	_ =	sdelay $0x1  }
0x139: {  	v27 =	vsub.f32 v27, v28;
	_ =	sdelay $0x1  }
0x13a: {  	v27 =	vmul.f32 v27, v27;
	_ =	sdelay $0x1  }
0x13b: {  	[tilespmem:$0x2100] =	vst v27  }
0x13c: {  	v53 =	vld.idx.msk [tilespmem:v13+s10+$0x0], $0xffff;
	_ =	sdelay $0x4  }
0x13d: {  	v27 =	vadd.f32 v27, v53;
	_ =	sdelay $0x1  }
0x13e: {  	[tilespmem:$0x2100] =	vst v27  }
0x13f: {  	v54 =	vld.idx.msk [tilespmem:v14+s10+$0x0], $0xffff;
	_ =	sdelay $0x4  }
0x140: {  	v27 =	vadd.f32 v27, v54;
	_ =	sdelay $0x1  }
0x141: {  	[tilespmem:$0x2100] =	vst v27  }
0x142: {  	v55 =	vld.idx.msk [tilespmem:v15+s10+$0x0], $0xffff;
	[tilespmem:$0x2100] =	vst v26  }
0x143: {  	v56 =	vld.idx.msk [tilespmem:v13+s10+$0x0], $0xffff;
	_ =	sdelay $0x4  }
0x144: {  	v30 =	vadd.f32 v56, v26;
	_ =	sdelay $0x1  }
0x145: {  	[tilespmem:$0x2100] =	vst v30  }
0x146: {  	v57 =	vld.idx.msk [tilespmem:v14+s10+$0x0], $0xffff;
	_ =	sdelay $0x4  }
0x147: {  	v30 =	vadd.f32 v57, v30;
	_ =	sdelay $0x1  }
0x148: {  	[tilespmem:$0x2100] =	vst v30  }
0x149: {  	v58 =	vld.idx.msk [tilespmem:v15+s10+$0x0], $0xffff;
	_ =	sdelay $0x4  }
0x14a: {  	v30 =	vadd.f32 v58, v30;
	_ =	sdelay $0x1  }
0x14b: {  	v30 =	vmul.f32 v30, v0;
	_ =	sdelay $0x1  }
0x14c: {  	v26 =	vsub.f32 v26, v30;
	_ =	sdelay $0x1  }
0x14d: {  	v26 =	vmul.f32 v26, v26;
	_ =	sdelay $0x1  }
0x14e: {  	[tilespmem:$0x2100] =	vst v26  }
0x14f: {  	v59 =	vld.idx.msk [tilespmem:v13+s10+$0x0], $0xffff;
	_ =	sdelay $0x4  }
0x150: {  	v26 =	vadd.f32 v26, v59;
	_ =	sdelay $0x1  }
0x151: {  	[tilespmem:$0x2100] =	vst v26  }
0x152: {  	v60 =	vld.idx.msk [tilespmem:v14+s10+$0x0], $0xffff;
	_ =	sdelay $0x1  }
0x153: {  	v28 =	vmul.f32 v28, v28  }
0x154: {  	v30 =	vmul.f32 v30, v30  }
0x155: {  	v28 =	vadd.f32 $1.000000010e-10, v28  }
0x156: {  	v30 =	vadd.f32 $1.000000010e-10, v30;
	v26 =	vadd.f32 v26, v60  }
0x157: {  	(erf) = vrcp.f32 v28  }
0x158: {  	(erf) = vrcp.f32 v30;
	[tilespmem:$0x2100] =	vst v26  }
0x159: {  	v61 =	vld.idx.msk [tilespmem:v15+s10+$0x0], $0xffff;
	_ =	sdelay $0x4  }
0x15a: {  	v27 =	vadd.f32 v55, v27;
	v26 =	vadd.f32 v61, v26;
	_ =	sdelay $0x1  }
0x15b: {  	v62 =	vpop (erf);
	v27 =	vmul.f32 v27, v1;
	v26 =	vmul.f32 v26, v1  }
0x15c: {  	v63 =	vpop (erf)  }
0x15d: {  	v27 =	vmul.f32 v27, v62;
	v26 =	vmul.f32 v26, v63;
	_ =	sdelay $0x1  }
0x15e: {  	v26 =	vadd.f32 v26, v27;
	_ =	sdelay $0x1  }
0x15f: {  	[tilespmem:$0x2090] =	vst v26  }
0x160: {  	[hbm4b:s5+s1] =	stream.linear.scatter [tilespmem:s11], [sflag:$0x2], $0x80, $0x38;
	[tilespmem:$0x2180] =	vst v63  }
0x161: {  	_ =	swait.ge [sflag:s12], $0x80  }
0x162: {  	[sflag:s12] =	ssyncset.done $0x0  }
0x163: {  	[sflag:s12] =	ssyncadd.s32 $0xFFFFFF80  }
0x164: {  	[hbm4b:s4+s7] =	stream.indirect.scatter [tilespmem:s13], [sflag:$0x1], $0x80, s1, s7, $0xb8;
	[tilespmem:$0x2180] =	vst v63  }
0x165: {  	_ =	swait.ge [sflag:s9], $0x1000  }
0x166: {  	v26 =	vld [tilespmem:$0x1FFE0];
	_ =	sdelay $0x3  }
0x167: {  	s14 =	sadd.s32 $0x1, s14  }
0x168: {  	p0 =	sne.s32 s14, s6;
	vm2 =	vnez.u8 v26;
	v26 =	vld [tilespmem:$0x1FFD0]  }
.Ltmp2:
0x169: {  	_ = 	snop;
	(pc) =	sbr.rel @p0 .LBB2_2-.Ltmp2, $3  }
0x16a: {  	_ =	sdelay $0x1  }
0x16b: {  	[sflag:s9] =	ssyncset.done $0x0  }
0x16c: {  	[sflag:s9] =	ssyncadd.s32 $0xFFFFF000;
	vm4 =	vnez.u8 v26  }
.LBB2_5:
0x16d: {  	_ =	sfence.sel $0x180000  }
0x16e: {  	[bflag:$0x0] =	sbarrier.arrive $0xFFFF  }
0x16f: {  	p0 =	sne.s32 s2, $0x0;
	_ =	strace $0x90000047  }
0x170: {  	s0 =	sadd.s32 @!p0 $0x100000, s0;
	[bflag:$0x2] =	sbarrier.arrive $0xFFFF  }
0x171: {  	[sflag:s0] =	ssyncadd.tile.s32 @!p0 $0x1;
	_ =	shalt  }
.Lfunc_end2:
_tile_overlayer_lowered:
.L_overlay_start_2:
0x172: {  	(tag) =	ssettag $0x2  }
0x173: {  	s0 =	rddreg [dreg:$0x0];
	s2 =	stileid.u32  }
0x174: {  	s1 =	rddreg [dreg:$0x1];
	p0 =	sne.s32 s2, $0x0  }
0x175: {  	s3 =	rddreg [dreg:$0x2];
	[bflag:$0x3] =	sbarrier.arrive $0xFFFF;
	s2 =	simm.s32 @!p0 $0x1C02  }
0x176: {  	[timem:s3], [sflag:s2] =	dma.local @!p0 [hbm:s0], s1  }
0x177: {  	s0 =	simm.s32 @!p0 $0x2  }
0x178: {  	_ =	swait.ge @!p0 [sflag:s0], s1  }
0x179: {  	s1 =	ssub.s32 @!p0 $0x0, s1;
	[sflag:s0] =	ssyncset.done @!p0 $0x0  }
0x17a: {  	[sflag:s0] =	ssyncadd.s32 @!p0 s1  }
0x17b: {  	[bflag:$0x3] =	sbarrier.arrive $0xFFFF  }
0x17c: {  	_ =	shalt  }

</sc_bundles>
